<compile_context>
chip_gen: v7x
topology: tpu7x:2x2x1
jax: 0.10.2.dev20260603
libtpu: 0.0.44.dev20260713+nightly
codegen_flags: <defaults>
</compile_context>

<pallas_src>
import functools

import jax
import jax.numpy as jnp
from jax import lax
from jax.experimental import pallas as pl
from jax.experimental.pallas import tpu as pltpu
from jax.experimental.pallas import tpu_sc as plsc

DIM = 1024
N_POS = 32768
NUM_WORKERS = 32
B_PER_W = N_POS // NUM_WORKERS
CHUNK = 16
NCH = B_PER_W // CHUNK
NBUF = 4
LOOK = 2


def _make_kernel():
    mesh = plsc.VectorSubcoreMesh(core_axis_name="c", subcore_axis_name="s")

    @functools.partial(
        pl.kernel,
        mesh=mesh,
        out_type=jax.ShapeDtypeStruct((N_POS, DIM), jnp.float32),
        scratch_types=[
            pltpu.VMEM((NCH, CHUNK), jnp.int32),
            pltpu.VMEM((NBUF, CHUNK, DIM), jnp.float32),
            pltpu.SemaphoreType.DMA,
            pltpu.SemaphoreType.DMA,
            pltpu.SemaphoreType.DMA,
            pltpu.SemaphoreType.DMA,
            pltpu.SemaphoreType.DMA,
            pltpu.SemaphoreType.DMA,
            pltpu.SemaphoreType.DMA,
            pltpu.SemaphoreType.DMA,
        ],
    )
    def gather_kernel(table_hbm, idx_hbm, out_hbm, idx_v, rows_v, *sems):
        gsem = sems[:NBUF]
        ssem = sems[NBUF:]
        num_cores = lax.axis_size("c")
        wid = lax.axis_index("s") * num_cores + lax.axis_index("c")
        base = wid * B_PER_W

        pltpu.sync_copy(idx_hbm.at[wid], idx_v)

        def gstart(j, b):
            pltpu.async_copy(table_hbm.at[idx_v.at[j]], rows_v.at[b], gsem[b])

        def gwait(b):
            pltpu.make_async_copy(
                table_hbm.at[pl.ds(0, CHUNK)], rows_v.at[b], gsem[b]
            ).wait()

        def sstart(j, b):
            pltpu.async_copy(
                rows_v.at[b], out_hbm.at[pl.ds(base + j * CHUNK, CHUNK)], ssem[b]
            )

        def swait(b):
            pltpu.make_async_copy(
                rows_v.at[b], out_hbm.at[pl.ds(base, CHUNK)], ssem[b]
            ).wait()

        for j in range(LOOK):
            gstart(j, j % NBUF)

        for j in range(LOOK):
            gstart(j + LOOK, (j + LOOK) % NBUF)
            gwait(j % NBUF)
            sstart(j, j % NBUF)

        def body(g, carry):
            for b in range(NBUF):
                j = LOOK + g * NBUF + b
                bj = (LOOK + b) % NBUF
                bn = (LOOK + b + LOOK) % NBUF
                swait(bn)
                gstart(j + LOOK, bn)
                gwait(bj)
                sstart(j, bj)
            return carry

        lax.fori_loop(0, (NCH - 2 * LOOK) // NBUF, body, 0)

        for j in range(NCH - LOOK, NCH):
            gwait(j % NBUF)
            sstart(j, j % NBUF)

        for j in range(NCH - NBUF, NCH):
            swait(j % NBUF)

    return gather_kernel


_KERNEL = _make_kernel()


def kernel(pe, pos):
    table = jnp.reshape(pe, (pe.shape[1], pe.shape[2]))
    idx = jnp.reshape(pos.astype(jnp.int32), (NUM_WORKERS, NCH, CHUNK))
    return _KERNEL(table, idx)

# --- scband reference (transcript-rebuilt; emitter-appended) ---
"""Pipeline reference for scband-positional-encoding-26225070310025 (READ-ONLY COPY).

The authoritative reference and input builder live on the scoring server;
editing this copy changes nothing except your own understanding.
"""

import jax, jax.numpy as jnp
import numpy as np

DIM_MODEL = 1024
MAX_LEN = 8192
N_POS = 32768

def _build_pe():
    pe = np.zeros((MAX_LEN, DIM_MODEL), dtype=np.float32)
    position = np.arange(0, MAX_LEN, dtype=np.float32)[:, None]
    div_term = np.exp(np.arange(0, DIM_MODEL, 2, dtype=np.float32) * -(np.log(10000.0) / DIM_MODEL))
    pe[:, 0::2] = np.sin(position * div_term)
    pe[:, 1::2] = np.cos(position * div_term)
    return jnp.asarray(pe[None, :, :])  # [1, max_len, dim_model]

def setup_inputs(seed: int = 0) -> dict:
    key = jax.random.key(seed)
    pos = jax.random.randint(key, (N_POS,), 0, MAX_LEN, dtype=jnp.int64 if jax.config.jax_enable_x64 else jnp.int32)
    pe = _build_pe()
    return {"pe": pe, "pos": pos}

def reference(pe, pos):
    # torch: T.index_select(self.pe, 1, pos).squeeze(0)
    # pe: [1, max_len, dim_model]; select along dim 1, then squeeze leading dim
    out = jnp.take(pe, pos, axis=1)  # [1, N_POS, dim_model]
    return jnp.squeeze(out, axis=0)  # [N_POS, dim_model]

if __name__ == "__main__":
    import jax
    _d = setup_inputs()
    print(jax.jit(kernel)(*tuple(_d.values())))

</pallas_src>

<mosaic_0001>
#map = affine_map<(d0, d1) -> (0, 0)>
#map1 = affine_map<(d0, d1) -> (0, 0, 0)>
module attributes {stable_mosaic.version = 14 : i64} {
  func.func @gather_kernel(%arg0: i32, %arg1: i32, %arg2: memref<8192x1024xf32, #tpu.memory_space<hbm>>, %arg3: memref<32x64x16xi32, #tpu.memory_space<hbm>>, %arg4: memref<32768x1024xf32, #tpu.memory_space<hbm>>, %arg5: memref<64x16xi32, #tpu.memory_space<vmem>>, %arg6: memref<4x16x1024xf32, #tpu.memory_space<vmem>>, %arg7: memref<!tpu.dma_semaphore, #tpu.memory_space<semaphore_mem>>, %arg8: memref<!tpu.dma_semaphore, #tpu.memory_space<semaphore_mem>>, %arg9: memref<!tpu.dma_semaphore, #tpu.memory_space<semaphore_mem>>, %arg10: memref<!tpu.dma_semaphore, #tpu.memory_space<semaphore_mem>>, %arg11: memref<!tpu.dma_semaphore, #tpu.memory_space<semaphore_mem>>, %arg12: memref<!tpu.dma_semaphore, #tpu.memory_space<semaphore_mem>>, %arg13: memref<!tpu.dma_semaphore, #tpu.memory_space<semaphore_mem>>, %arg14: memref<!tpu.dma_semaphore, #tpu.memory_space<semaphore_mem>>) attributes {dimension_semantics = [#tpu.dimension_semantics<core_parallel>, #tpu.dimension_semantics<subcore_parallel>], iteration_bounds = array<i64: 2, 16>, scalar_prefetch = 0 : i64, scratch_operands = 10 : i64, tpu.core_type = #tpu.core_type<sc_vector_subcore>, window_params = [{transform_indices = #map}, {transform_indices = #map1}, {transform_indices = #map}]} {
    %mul3A = arith.constant 2 : i32
    %mul3A_0 = arith.muli %arg1, %mul3A : i32
    %add3A = arith.addi %mul3A_0, %arg0 : i32
    %mul3A_1 = arith.constant 1024 : i32
    %mul3A_2 = arith.muli %add3A, %mul3A_1 : i32
    "tpu.region"() ({
      %run_scoped3A = tpu.sem_alloc : memref<!tpu.dma_semaphore, #tpu.memory_space<semaphore_mem>>
      %dma_start3A_226 = arith.constant 0 : i32
      %dma_start3A_227 = arith.constant 0 : i32
      %dma_start3A_228 = tpu.memref_slice %arg3[%add3A, %dma_start3A_226, %dma_start3A_227] : memref<32x64x16xi32, #tpu.memory_space<hbm>> -> memref<1x64x16xi32, #tpu.memory_space<hbm>>
      %dma_start3A_229 = tpu.memref_squeeze %dma_start3A_228 : memref<1x64x16xi32, #tpu.memory_space<hbm>> -> memref<64x16xi32, #tpu.memory_space<hbm>>
      %dma_start3A_230 = arith.constant 0 : i32
      %dma_start3A_231 = arith.constant 0 : i32
      %dma_start3A_232 = tpu.memref_slice %arg3[%add3A, %dma_start3A_230, %dma_start3A_231] : memref<32x64x16xi32, #tpu.memory_space<hbm>> -> memref<1x64x16xi32, #tpu.memory_space<hbm>>
      %dma_start3A_233 = tpu.memref_squeeze %dma_start3A_232 : memref<1x64x16xi32, #tpu.memory_space<hbm>> -> memref<64x16xi32, #tpu.memory_space<hbm>>
      tpu.enqueue_dma source(%dma_start3A_233 : memref<64x16xi32, #tpu.memory_space<hbm>>) target(%arg5 : memref<64x16xi32, #tpu.memory_space<vmem>>) target_semaphore(%run_scoped3A : memref<!tpu.dma_semaphore, #tpu.memory_space<semaphore_mem>>)
      %dma_wait3A_234 = arith.constant 0 : i32
      %dma_wait3A_235 = arith.constant 0 : i32
      %dma_wait3A_236 = tpu.memref_slice %arg3[%add3A, %dma_wait3A_234, %dma_wait3A_235] : memref<32x64x16xi32, #tpu.memory_space<hbm>> -> memref<1x64x16xi32, #tpu.memory_space<hbm>>
      %dma_wait3A_237 = tpu.memref_squeeze %dma_wait3A_236 : memref<1x64x16xi32, #tpu.memory_space<hbm>> -> memref<64x16xi32, #tpu.memory_space<hbm>>
      %dma_wait3A_238 = arith.constant 0 : i32
      %dma_wait3A_239 = arith.constant 0 : i32
      %dma_wait3A_240 = tpu.memref_slice %arg3[%add3A, %dma_wait3A_238, %dma_wait3A_239] : memref<32x64x16xi32, #tpu.memory_space<hbm>> -> memref<1x64x16xi32, #tpu.memory_space<hbm>>
      %dma_wait3A_241 = tpu.memref_squeeze %dma_wait3A_240 : memref<1x64x16xi32, #tpu.memory_space<hbm>> -> memref<64x16xi32, #tpu.memory_space<hbm>>
      tpu.wait_dma2 semaphore(%run_scoped3A : memref<!tpu.dma_semaphore, #tpu.memory_space<semaphore_mem>>) src(%dma_wait3A_241 : memref<64x16xi32, #tpu.memory_space<hbm>>) dst(%arg5 : memref<64x16xi32, #tpu.memory_space<vmem>>)
      tpu.yield
    }) : () -> ()
    %dma_start3A = arith.constant 0 : i32
    %dma_start3A_3 = arith.constant 0 : i32
    %dma_start3A_4 = arith.constant 0 : i32
    %dma_start3A_5 = arith.constant 0 : i32
    %dma_start3A_6 = tpu.memref_slice %arg6[%dma_start3A_3, %dma_start3A_4, %dma_start3A_5] : memref<4x16x1024xf32, #tpu.memory_space<vmem>> -> memref<1x16x1024xf32, #tpu.memory_space<vmem>>
    %dma_start3A_7 = tpu.memref_squeeze %dma_start3A_6 : memref<1x16x1024xf32, #tpu.memory_space<vmem>> -> memref<16x1024xf32, #tpu.memory_space<vmem>>
    %dma_start3A_8 = arith.constant 0 : i32
    %dma_start3A_9 = tpu.memref_slice %arg5[%dma_start3A, %dma_start3A_8] : memref<64x16xi32, #tpu.memory_space<vmem>> -> memref<1x16xi32, #tpu.memory_space<vmem>>
    %dma_start3A_10 = tpu.memref_squeeze %dma_start3A_9 : memref<1x16xi32, #tpu.memory_space<vmem>> -> memref<16xi32, #tpu.memory_space<vmem>>
    %dma_start3A_11 = arith.constant 0 : i32
    %dma_start3A_12 = arith.constant 0 : i32
    %dma_start3A_13 = tpu.memref_slice %arg2[%dma_start3A_11, %dma_start3A_12] : memref<8192x1024xf32, #tpu.memory_space<hbm>> -> memref<8192x1024xf32, #tpu.memory_space<hbm>>
    tpu.enqueue_indirect_dma source(%dma_start3A_13 : memref<8192x1024xf32, #tpu.memory_space<hbm>>) target(%dma_start3A_7 : memref<16x1024xf32, #tpu.memory_space<vmem>>) offsets(%dma_start3A_10 : memref<16xi32, #tpu.memory_space<vmem>>) semaphore(%arg7 : memref<!tpu.dma_semaphore, #tpu.memory_space<semaphore_mem>>)
    %dma_start3A_14 = arith.constant 1 : i32
    %dma_start3A_15 = arith.constant 1 : i32
    %dma_start3A_16 = arith.constant 0 : i32
    %dma_start3A_17 = arith.constant 0 : i32
    %dma_start3A_18 = tpu.memref_slice %arg6[%dma_start3A_15, %dma_start3A_16, %dma_start3A_17] : memref<4x16x1024xf32, #tpu.memory_space<vmem>> -> memref<1x16x1024xf32, #tpu.memory_space<vmem>>
    %dma_start3A_19 = tpu.memref_squeeze %dma_start3A_18 : memref<1x16x1024xf32, #tpu.memory_space<vmem>> -> memref<16x1024xf32, #tpu.memory_space<vmem>>
    %dma_start3A_20 = arith.constant 0 : i32
    %dma_start3A_21 = tpu.memref_slice %arg5[%dma_start3A_14, %dma_start3A_20] : memref<64x16xi32, #tpu.memory_space<vmem>> -> memref<1x16xi32, #tpu.memory_space<vmem>>
    %dma_start3A_22 = tpu.memref_squeeze %dma_start3A_21 : memref<1x16xi32, #tpu.memory_space<vmem>> -> memref<16xi32, #tpu.memory_space<vmem>>
    %dma_start3A_23 = arith.constant 0 : i32
    %dma_start3A_24 = arith.constant 0 : i32
    %dma_start3A_25 = tpu.memref_slice %arg2[%dma_start3A_23, %dma_start3A_24] : memref<8192x1024xf32, #tpu.memory_space<hbm>> -> memref<8192x1024xf32, #tpu.memory_space<hbm>>
    tpu.enqueue_indirect_dma source(%dma_start3A_25 : memref<8192x1024xf32, #tpu.memory_space<hbm>>) target(%dma_start3A_19 : memref<16x1024xf32, #tpu.memory_space<vmem>>) offsets(%dma_start3A_22 : memref<16xi32, #tpu.memory_space<vmem>>) semaphore(%arg8 : memref<!tpu.dma_semaphore, #tpu.memory_space<semaphore_mem>>)
    %dma_start3A_26 = arith.constant 2 : i32
    %dma_start3A_27 = arith.constant 2 : i32
    %dma_start3A_28 = arith.constant 0 : i32
    %dma_start3A_29 = arith.constant 0 : i32
    %dma_start3A_30 = tpu.memref_slice %arg6[%dma_start3A_27, %dma_start3A_28, %dma_start3A_29] : memref<4x16x1024xf32, #tpu.memory_space<vmem>> -> memref<1x16x1024xf32, #tpu.memory_space<vmem>>
    %dma_start3A_31 = tpu.memref_squeeze %dma_start3A_30 : memref<1x16x1024xf32, #tpu.memory_space<vmem>> -> memref<16x1024xf32, #tpu.memory_space<vmem>>
    %dma_start3A_32 = arith.constant 0 : i32
    %dma_start3A_33 = tpu.memref_slice %arg5[%dma_start3A_26, %dma_start3A_32] : memref<64x16xi32, #tpu.memory_space<vmem>> -> memref<1x16xi32, #tpu.memory_space<vmem>>
    %dma_start3A_34 = tpu.memref_squeeze %dma_start3A_33 : memref<1x16xi32, #tpu.memory_space<vmem>> -> memref<16xi32, #tpu.memory_space<vmem>>
    %dma_start3A_35 = arith.constant 0 : i32
    %dma_start3A_36 = arith.constant 0 : i32
    %dma_start3A_37 = tpu.memref_slice %arg2[%dma_start3A_35, %dma_start3A_36] : memref<8192x1024xf32, #tpu.memory_space<hbm>> -> memref<8192x1024xf32, #tpu.memory_space<hbm>>
    tpu.enqueue_indirect_dma source(%dma_start3A_37 : memref<8192x1024xf32, #tpu.memory_space<hbm>>) target(%dma_start3A_31 : memref<16x1024xf32, #tpu.memory_space<vmem>>) offsets(%dma_start3A_34 : memref<16xi32, #tpu.memory_space<vmem>>) semaphore(%arg9 : memref<!tpu.dma_semaphore, #tpu.memory_space<semaphore_mem>>)
    %dma_wait3A = arith.constant 0 : i32
    %dma_wait3A_38 = arith.constant 0 : i32
    %dma_wait3A_39 = arith.constant 0 : i32
    %dma_wait3A_40 = tpu.memref_slice %arg6[%dma_wait3A, %dma_wait3A_38, %dma_wait3A_39] : memref<4x16x1024xf32, #tpu.memory_space<vmem>> -> memref<1x16x1024xf32, #tpu.memory_space<vmem>>
    %dma_wait3A_41 = tpu.memref_squeeze %dma_wait3A_40 : memref<1x16x1024xf32, #tpu.memory_space<vmem>> -> memref<16x1024xf32, #tpu.memory_space<vmem>>
    %dma_wait3A_42 = arith.constant 0 : i32
    %dma_wait3A_43 = arith.constant 0 : i32
    %dma_wait3A_44 = tpu.memref_slice %arg2[%dma_wait3A_42, %dma_wait3A_43] : memref<8192x1024xf32, #tpu.memory_space<hbm>> -> memref<16x1024xf32, #tpu.memory_space<hbm>>
    %dma_wait3A_45 = arith.constant 0 : i32
    %dma_wait3A_46 = arith.constant 0 : i32
    %dma_wait3A_47 = tpu.memref_slice %arg6[%dma_wait3A, %dma_wait3A_45, %dma_wait3A_46] : memref<4x16x1024xf32, #tpu.memory_space<vmem>> -> memref<1x16x1024xf32, #tpu.memory_space<vmem>>
    %dma_wait3A_48 = tpu.memref_squeeze %dma_wait3A_47 : memref<1x16x1024xf32, #tpu.memory_space<vmem>> -> memref<16x1024xf32, #tpu.memory_space<vmem>>
    %dma_wait3A_49 = arith.constant 0 : i32
    %dma_wait3A_50 = arith.constant 0 : i32
    %dma_wait3A_51 = tpu.memref_slice %arg2[%dma_wait3A_49, %dma_wait3A_50] : memref<8192x1024xf32, #tpu.memory_space<hbm>> -> memref<16x1024xf32, #tpu.memory_space<hbm>>
    tpu.wait_dma2 semaphore(%arg7 : memref<!tpu.dma_semaphore, #tpu.memory_space<semaphore_mem>>) src(%dma_wait3A_51 : memref<16x1024xf32, #tpu.memory_space<hbm>>) dst(%dma_wait3A_48 : memref<16x1024xf32, #tpu.memory_space<vmem>>)
    %add3A_52 = arith.constant 0 : i32
    %add3A_53 = arith.addi %mul3A_2, %add3A_52 : i32
    %dma_start3A_54 = arith.constant 0 : i32
    %dma_start3A_55 = arith.constant 0 : i32
    %dma_start3A_56 = arith.constant 0 : i32
    %dma_start3A_57 = tpu.memref_slice %arg6[%dma_start3A_54, %dma_start3A_55, %dma_start3A_56] : memref<4x16x1024xf32, #tpu.memory_space<vmem>> -> memref<1x16x1024xf32, #tpu.memory_space<vmem>>
    %dma_start3A_58 = tpu.memref_squeeze %dma_start3A_57 : memref<1x16x1024xf32, #tpu.memory_space<vmem>> -> memref<16x1024xf32, #tpu.memory_space<vmem>>
    %dma_start3A_59 = arith.constant 0 : i32
    %dma_start3A_60 = tpu.memref_slice %arg4[%add3A_53, %dma_start3A_59] : memref<32768x1024xf32, #tpu.memory_space<hbm>> -> memref<16x1024xf32, #tpu.memory_space<hbm>>
    %dma_start3A_61 = arith.constant 0 : i32
    %dma_start3A_62 = tpu.memref_slice %arg4[%add3A_53, %dma_start3A_61] : memref<32768x1024xf32, #tpu.memory_space<hbm>> -> memref<16x1024xf32, #tpu.memory_space<hbm>>
    %dma_start3A_63 = arith.constant 0 : i32
    %dma_start3A_64 = arith.constant 0 : i32
    %dma_start3A_65 = tpu.memref_slice %arg6[%dma_start3A_54, %dma_start3A_63, %dma_start3A_64] : memref<4x16x1024xf32, #tpu.memory_space<vmem>> -> memref<1x16x1024xf32, #tpu.memory_space<vmem>>
    %dma_start3A_66 = tpu.memref_squeeze %dma_start3A_65 : memref<1x16x1024xf32, #tpu.memory_space<vmem>> -> memref<16x1024xf32, #tpu.memory_space<vmem>>
    tpu.enqueue_dma source(%dma_start3A_66 : memref<16x1024xf32, #tpu.memory_space<vmem>>) target(%dma_start3A_62 : memref<16x1024xf32, #tpu.memory_space<hbm>>) target_semaphore(%arg11 : memref<!tpu.dma_semaphore, #tpu.memory_space<semaphore_mem>>)
    %dma_start3A_67 = arith.constant 3 : i32
    %dma_start3A_68 = arith.constant 3 : i32
    %dma_start3A_69 = arith.constant 0 : i32
    %dma_start3A_70 = arith.constant 0 : i32
    %dma_start3A_71 = tpu.memref_slice %arg6[%dma_start3A_68, %dma_start3A_69, %dma_start3A_70] : memref<4x16x1024xf32, #tpu.memory_space<vmem>> -> memref<1x16x1024xf32, #tpu.memory_space<vmem>>
    %dma_start3A_72 = tpu.memref_squeeze %dma_start3A_71 : memref<1x16x1024xf32, #tpu.memory_space<vmem>> -> memref<16x1024xf32, #tpu.memory_space<vmem>>
    %dma_start3A_73 = arith.constant 0 : i32
    %dma_start3A_74 = tpu.memref_slice %arg5[%dma_start3A_67, %dma_start3A_73] : memref<64x16xi32, #tpu.memory_space<vmem>> -> memref<1x16xi32, #tpu.memory_space<vmem>>
    %dma_start3A_75 = tpu.memref_squeeze %dma_start3A_74 : memref<1x16xi32, #tpu.memory_space<vmem>> -> memref<16xi32, #tpu.memory_space<vmem>>
    %dma_start3A_76 = arith.constant 0 : i32
    %dma_start3A_77 = arith.constant 0 : i32
    %dma_start3A_78 = tpu.memref_slice %arg2[%dma_start3A_76, %dma_start3A_77] : memref<8192x1024xf32, #tpu.memory_space<hbm>> -> memref<8192x1024xf32, #tpu.memory_space<hbm>>
    tpu.enqueue_indirect_dma source(%dma_start3A_78 : memref<8192x1024xf32, #tpu.memory_space<hbm>>) target(%dma_start3A_72 : memref<16x1024xf32, #tpu.memory_space<vmem>>) offsets(%dma_start3A_75 : memref<16xi32, #tpu.memory_space<vmem>>) semaphore(%arg10 : memref<!tpu.dma_semaphore, #tpu.memory_space<semaphore_mem>>)
    %dma_wait3A_79 = arith.constant 1 : i32
    %dma_wait3A_80 = arith.constant 0 : i32
    %dma_wait3A_81 = arith.constant 0 : i32
    %dma_wait3A_82 = tpu.memref_slice %arg6[%dma_wait3A_79, %dma_wait3A_80, %dma_wait3A_81] : memref<4x16x1024xf32, #tpu.memory_space<vmem>> -> memref<1x16x1024xf32, #tpu.memory_space<vmem>>
    %dma_wait3A_83 = tpu.memref_squeeze %dma_wait3A_82 : memref<1x16x1024xf32, #tpu.memory_space<vmem>> -> memref<16x1024xf32, #tpu.memory_space<vmem>>
    %dma_wait3A_84 = arith.constant 0 : i32
    %dma_wait3A_85 = arith.constant 0 : i32
    %dma_wait3A_86 = tpu.memref_slice %arg2[%dma_wait3A_84, %dma_wait3A_85] : memref<8192x1024xf32, #tpu.memory_space<hbm>> -> memref<16x1024xf32, #tpu.memory_space<hbm>>
    %dma_wait3A_87 = arith.constant 0 : i32
    %dma_wait3A_88 = arith.constant 0 : i32
    %dma_wait3A_89 = tpu.memref_slice %arg6[%dma_wait3A_79, %dma_wait3A_87, %dma_wait3A_88] : memref<4x16x1024xf32, #tpu.memory_space<vmem>> -> memref<1x16x1024xf32, #tpu.memory_space<vmem>>
    %dma_wait3A_90 = tpu.memref_squeeze %dma_wait3A_89 : memref<1x16x1024xf32, #tpu.memory_space<vmem>> -> memref<16x1024xf32, #tpu.memory_space<vmem>>
    %dma_wait3A_91 = arith.constant 0 : i32
    %dma_wait3A_92 = arith.constant 0 : i32
    %dma_wait3A_93 = tpu.memref_slice %arg2[%dma_wait3A_91, %dma_wait3A_92] : memref<8192x1024xf32, #tpu.memory_space<hbm>> -> memref<16x1024xf32, #tpu.memory_space<hbm>>
    tpu.wait_dma2 semaphore(%arg8 : memref<!tpu.dma_semaphore, #tpu.memory_space<semaphore_mem>>) src(%dma_wait3A_93 : memref<16x1024xf32, #tpu.memory_space<hbm>>) dst(%dma_wait3A_90 : memref<16x1024xf32, #tpu.memory_space<vmem>>)
    %add3A_94 = arith.constant 16 : i32
    %add3A_95 = arith.addi %mul3A_2, %add3A_94 : i32
    %dma_start3A_96 = arith.constant 1 : i32
    %dma_start3A_97 = arith.constant 0 : i32
    %dma_start3A_98 = arith.constant 0 : i32
    %dma_start3A_99 = tpu.memref_slice %arg6[%dma_start3A_96, %dma_start3A_97, %dma_start3A_98] : memref<4x16x1024xf32, #tpu.memory_space<vmem>> -> memref<1x16x1024xf32, #tpu.memory_space<vmem>>
    %dma_start3A_100 = tpu.memref_squeeze %dma_start3A_99 : memref<1x16x1024xf32, #tpu.memory_space<vmem>> -> memref<16x1024xf32, #tpu.memory_space<vmem>>
    %dma_start3A_101 = arith.constant 0 : i32
    %dma_start3A_102 = tpu.memref_slice %arg4[%add3A_95, %dma_start3A_101] : memref<32768x1024xf32, #tpu.memory_space<hbm>> -> memref<16x1024xf32, #tpu.memory_space<hbm>>
    %dma_start3A_103 = arith.constant 0 : i32
    %dma_start3A_104 = tpu.memref_slice %arg4[%add3A_95, %dma_start3A_103] : memref<32768x1024xf32, #tpu.memory_space<hbm>> -> memref<16x1024xf32, #tpu.memory_space<hbm>>
    %dma_start3A_105 = arith.constant 0 : i32
    %dma_start3A_106 = arith.constant 0 : i32
    %dma_start3A_107 = tpu.memref_slice %arg6[%dma_start3A_96, %dma_start3A_105, %dma_start3A_106] : memref<4x16x1024xf32, #tpu.memory_space<vmem>> -> memref<1x16x1024xf32, #tpu.memory_space<vmem>>
    %dma_start3A_108 = tpu.memref_squeeze %dma_start3A_107 : memref<1x16x1024xf32, #tpu.memory_space<vmem>> -> memref<16x1024xf32, #tpu.memory_space<vmem>>
    tpu.enqueue_dma source(%dma_start3A_108 : memref<16x1024xf32, #tpu.memory_space<vmem>>) target(%dma_start3A_104 : memref<16x1024xf32, #tpu.memory_space<hbm>>) target_semaphore(%arg12 : memref<!tpu.dma_semaphore, #tpu.memory_space<semaphore_mem>>)
    %scan3A = arith.constant 0 : i32
    %scan3A_109 = arith.constant 0 : i32
    %scan3A_110 = arith.constant 15 : i32
    %scan3A_111 = arith.addi %scan3A_109, %scan3A_110 : i32
    %scan3A_112 = arith.constant 1 : i32
    scf.for %scan3A_226 = %scan3A_109 to %scan3A_111 step %scan3A_112  : i32 {
      %mul3A_227 = arith.constant 4 : i32
      %mul3A_228 = arith.muli %scan3A_226, %mul3A_227 : i32
      %add3A_229 = arith.constant 2 : i32
      %add3A_230 = arith.addi %add3A_229, %mul3A_228 : i32
      %add3A_231 = arith.constant 0 : i32
      %add3A_232 = arith.addi %add3A_230, %add3A_231 : i32
      %dma_wait3A_233 = arith.constant 0 : i32
      %dma_wait3A_234 = arith.constant 0 : i32
      %dma_wait3A_235 = arith.constant 0 : i32
      %dma_wait3A_236 = tpu.memref_slice %arg6[%dma_wait3A_233, %dma_wait3A_234, %dma_wait3A_235] : memref<4x16x1024xf32, #tpu.memory_space<vmem>> -> memref<1x16x1024xf32, #tpu.memory_space<vmem>>
      %dma_wait3A_237 = tpu.memref_squeeze %dma_wait3A_236 : memref<1x16x1024xf32, #tpu.memory_space<vmem>> -> memref<16x1024xf32, #tpu.memory_space<vmem>>
      %dma_wait3A_238 = arith.constant 0 : i32
      %dma_wait3A_239 = tpu.memref_slice %arg4[%mul3A_2, %dma_wait3A_238] : memref<32768x1024xf32, #tpu.memory_space<hbm>> -> memref<16x1024xf32, #tpu.memory_space<hbm>>
      %dma_wait3A_240 = arith.constant 0 : i32
      %dma_wait3A_241 = tpu.memref_slice %arg4[%mul3A_2, %dma_wait3A_240] : memref<32768x1024xf32, #tpu.memory_space<hbm>> -> memref<16x1024xf32, #tpu.memory_space<hbm>>
      %dma_wait3A_242 = arith.constant 0 : i32
      %dma_wait3A_243 = arith.constant 0 : i32
      %dma_wait3A_244 = tpu.memref_slice %arg6[%dma_wait3A_233, %dma_wait3A_242, %dma_wait3A_243] : memref<4x16x1024xf32, #tpu.memory_space<vmem>> -> memref<1x16x1024xf32, #tpu.memory_space<vmem>>
      %dma_wait3A_245 = tpu.memref_squeeze %dma_wait3A_244 : memref<1x16x1024xf32, #tpu.memory_space<vmem>> -> memref<16x1024xf32, #tpu.memory_space<vmem>>
      tpu.wait_dma2 semaphore(%arg11 : memref<!tpu.dma_semaphore, #tpu.memory_space<semaphore_mem>>) src(%dma_wait3A_245 : memref<16x1024xf32, #tpu.memory_space<vmem>>) dst(%dma_wait3A_241 : memref<16x1024xf32, #tpu.memory_space<hbm>>)
      %add3A_246 = arith.constant 2 : i32
      %add3A_247 = arith.addi %add3A_232, %add3A_246 : i32
      %dma_start3A_248 = arith.constant 0 : i32
      %dma_start3A_249 = arith.constant 0 : i32
      %dma_start3A_250 = arith.constant 0 : i32
      %dma_start3A_251 = tpu.memref_slice %arg6[%dma_start3A_248, %dma_start3A_249, %dma_start3A_250] : memref<4x16x1024xf32, #tpu.memory_space<vmem>> -> memref<1x16x1024xf32, #tpu.memory_space<vmem>>
      %dma_start3A_252 = tpu.memref_squeeze %dma_start3A_251 : memref<1x16x1024xf32, #tpu.memory_space<vmem>> -> memref<16x1024xf32, #tpu.memory_space<vmem>>
      %dma_start3A_253 = arith.constant 0 : i32
      %dma_start3A_254 = tpu.memref_slice %arg5[%add3A_247, %dma_start3A_253] : memref<64x16xi32, #tpu.memory_space<vmem>> -> memref<1x16xi32, #tpu.memory_space<vmem>>
      %dma_start3A_255 = tpu.memref_squeeze %dma_start3A_254 : memref<1x16xi32, #tpu.memory_space<vmem>> -> memref<16xi32, #tpu.memory_space<vmem>>
      %dma_start3A_256 = arith.constant 0 : i32
      %dma_start3A_257 = arith.constant 0 : i32
      %dma_start3A_258 = tpu.memref_slice %arg2[%dma_start3A_256, %dma_start3A_257] : memref<8192x1024xf32, #tpu.memory_space<hbm>> -> memref<8192x1024xf32, #tpu.memory_space<hbm>>
      tpu.enqueue_indirect_dma source(%dma_start3A_258 : memref<8192x1024xf32, #tpu.memory_space<hbm>>) target(%dma_start3A_252 : memref<16x1024xf32, #tpu.memory_space<vmem>>) offsets(%dma_start3A_255 : memref<16xi32, #tpu.memory_space<vmem>>) semaphore(%arg7 : memref<!tpu.dma_semaphore, #tpu.memory_space<semaphore_mem>>)
      %dma_wait3A_259 = arith.constant 2 : i32
      %dma_wait3A_260 = arith.constant 0 : i32
      %dma_wait3A_261 = arith.constant 0 : i32
      %dma_wait3A_262 = tpu.memref_slice %arg6[%dma_wait3A_259, %dma_wait3A_260, %dma_wait3A_261] : memref<4x16x1024xf32, #tpu.memory_space<vmem>> -> memref<1x16x1024xf32, #tpu.memory_space<vmem>>
      %dma_wait3A_263 = tpu.memref_squeeze %dma_wait3A_262 : memref<1x16x1024xf32, #tpu.memory_space<vmem>> -> memref<16x1024xf32, #tpu.memory_space<vmem>>
      %dma_wait3A_264 = arith.constant 0 : i32
      %dma_wait3A_265 = arith.constant 0 : i32
      %dma_wait3A_266 = tpu.memref_slice %arg2[%dma_wait3A_264, %dma_wait3A_265] : memref<8192x1024xf32, #tpu.memory_space<hbm>> -> memref<16x1024xf32, #tpu.memory_space<hbm>>
      %dma_wait3A_267 = arith.constant 0 : i32
      %dma_wait3A_268 = arith.constant 0 : i32
      %dma_wait3A_269 = tpu.memref_slice %arg6[%dma_wait3A_259, %dma_wait3A_267, %dma_wait3A_268] : memref<4x16x1024xf32, #tpu.memory_space<vmem>> -> memref<1x16x1024xf32, #tpu.memory_space<vmem>>
      %dma_wait3A_270 = tpu.memref_squeeze %dma_wait3A_269 : memref<1x16x1024xf32, #tpu.memory_space<vmem>> -> memref<16x1024xf32, #tpu.memory_space<vmem>>
      %dma_wait3A_271 = arith.constant 0 : i32
      %dma_wait3A_272 = arith.constant 0 : i32
      %dma_wait3A_273 = tpu.memref_slice %arg2[%dma_wait3A_271, %dma_wait3A_272] : memref<8192x1024xf32, #tpu.memory_space<hbm>> -> memref<16x1024xf32, #tpu.memory_space<hbm>>
      tpu.wait_dma2 semaphore(%arg9 : memref<!tpu.dma_semaphore, #tpu.memory_space<semaphore_mem>>) src(%dma_wait3A_273 : memref<16x1024xf32, #tpu.memory_space<hbm>>) dst(%dma_wait3A_270 : memref<16x1024xf32, #tpu.memory_space<vmem>>)
      %mul3A_274 = arith.constant 16 : i32
      %mul3A_275 = arith.muli %add3A_232, %mul3A_274 : i32
      %add3A_276 = arith.addi %mul3A_2, %mul3A_275 : i32
      %dma_start3A_277 = arith.constant 2 : i32
      %dma_start3A_278 = arith.constant 0 : i32
      %dma_start3A_279 = arith.constant 0 : i32
      %dma_start3A_280 = tpu.memref_slice %arg6[%dma_start3A_277, %dma_start3A_278, %dma_start3A_279] : memref<4x16x1024xf32, #tpu.memory_space<vmem>> -> memref<1x16x1024xf32, #tpu.memory_space<vmem>>
      %dma_start3A_281 = tpu.memref_squeeze %dma_start3A_280 : memref<1x16x1024xf32, #tpu.memory_space<vmem>> -> memref<16x1024xf32, #tpu.memory_space<vmem>>
      %dma_start3A_282 = arith.constant 0 : i32
      %dma_start3A_283 = tpu.memref_slice %arg4[%add3A_276, %dma_start3A_282] : memref<32768x1024xf32, #tpu.memory_space<hbm>> -> memref<16x1024xf32, #tpu.memory_space<hbm>>
      %dma_start3A_284 = arith.constant 0 : i32
      %dma_start3A_285 = tpu.memref_slice %arg4[%add3A_276, %dma_start3A_284] : memref<32768x1024xf32, #tpu.memory_space<hbm>> -> memref<16x1024xf32, #tpu.memory_space<hbm>>
      %dma_start3A_286 = arith.constant 0 : i32
      %dma_start3A_287 = arith.constant 0 : i32
      %dma_start3A_288 = tpu.memref_slice %arg6[%dma_start3A_277, %dma_start3A_286, %dma_start3A_287] : memref<4x16x1024xf32, #tpu.memory_space<vmem>> -> memref<1x16x1024xf32, #tpu.memory_space<vmem>>
      %dma_start3A_289 = tpu.memref_squeeze %dma_start3A_288 : memref<1x16x1024xf32, #tpu.memory_space<vmem>> -> memref<16x1024xf32, #tpu.memory_space<vmem>>
      tpu.enqueue_dma source(%dma_start3A_289 : memref<16x1024xf32, #tpu.memory_space<vmem>>) target(%dma_start3A_285 : memref<16x1024xf32, #tpu.memory_space<hbm>>) target_semaphore(%arg13 : memref<!tpu.dma_semaphore, #tpu.memory_space<semaphore_mem>>)
      %mul3A_290 = arith.constant 4 : i32
      %mul3A_291 = arith.muli %scan3A_226, %mul3A_290 : i32
      %add3A_292 = arith.constant 2 : i32
      %add3A_293 = arith.addi %add3A_292, %mul3A_291 : i32
      %add3A_294 = arith.constant 1 : i32
      %add3A_295 = arith.addi %add3A_293, %add3A_294 : i32
      %dma_wait3A_296 = arith.constant 1 : i32
      %dma_wait3A_297 = arith.constant 0 : i32
      %dma_wait3A_298 = arith.constant 0 : i32
      %dma_wait3A_299 = tpu.memref_slice %arg6[%dma_wait3A_296, %dma_wait3A_297, %dma_wait3A_298] : memref<4x16x1024xf32, #tpu.memory_space<vmem>> -> memref<1x16x1024xf32, #tpu.memory_space<vmem>>
      %dma_wait3A_300 = tpu.memref_squeeze %dma_wait3A_299 : memref<1x16x1024xf32, #tpu.memory_space<vmem>> -> memref<16x1024xf32, #tpu.memory_space<vmem>>
      %dma_wait3A_301 = arith.constant 0 : i32
      %dma_wait3A_302 = tpu.memref_slice %arg4[%mul3A_2, %dma_wait3A_301] : memref<32768x1024xf32, #tpu.memory_space<hbm>> -> memref<16x1024xf32, #tpu.memory_space<hbm>>
      %dma_wait3A_303 = arith.constant 0 : i32
      %dma_wait3A_304 = tpu.memref_slice %arg4[%mul3A_2, %dma_wait3A_303] : memref<32768x1024xf32, #tpu.memory_space<hbm>> -> memref<16x1024xf32, #tpu.memory_space<hbm>>
      %dma_wait3A_305 = arith.constant 0 : i32
      %dma_wait3A_306 = arith.constant 0 : i32
      %dma_wait3A_307 = tpu.memref_slice %arg6[%dma_wait3A_296, %dma_wait3A_305, %dma_wait3A_306] : memref<4x16x1024xf32, #tpu.memory_space<vmem>> -> memref<1x16x1024xf32, #tpu.memory_space<vmem>>
      %dma_wait3A_308 = tpu.memref_squeeze %dma_wait3A_307 : memref<1x16x1024xf32, #tpu.memory_space<vmem>> -> memref<16x1024xf32, #tpu.memory_space<vmem>>
      tpu.wait_dma2 semaphore(%arg12 : memref<!tpu.dma_semaphore, #tpu.memory_space<semaphore_mem>>) src(%dma_wait3A_308 : memref<16x1024xf32, #tpu.memory_space<vmem>>) dst(%dma_wait3A_304 : memref<16x1024xf32, #tpu.memory_space<hbm>>)
      %add3A_309 = arith.constant 2 : i32
      %add3A_310 = arith.addi %add3A_295, %add3A_309 : i32
      %dma_start3A_311 = arith.constant 1 : i32
      %dma_start3A_312 = arith.constant 0 : i32
      %dma_start3A_313 = arith.constant 0 : i32
      %dma_start3A_314 = tpu.memref_slice %arg6[%dma_start3A_311, %dma_start3A_312, %dma_start3A_313] : memref<4x16x1024xf32, #tpu.memory_space<vmem>> -> memref<1x16x1024xf32, #tpu.memory_space<vmem>>
      %dma_start3A_315 = tpu.memref_squeeze %dma_start3A_314 : memref<1x16x1024xf32, #tpu.memory_space<vmem>> -> memref<16x1024xf32, #tpu.memory_space<vmem>>
      %dma_start3A_316 = arith.constant 0 : i32
      %dma_start3A_317 = tpu.memref_slice %arg5[%add3A_310, %dma_start3A_316] : memref<64x16xi32, #tpu.memory_space<vmem>> -> memref<1x16xi32, #tpu.memory_space<vmem>>
      %dma_start3A_318 = tpu.memref_squeeze %dma_start3A_317 : memref<1x16xi32, #tpu.memory_space<vmem>> -> memref<16xi32, #tpu.memory_space<vmem>>
      %dma_start3A_319 = arith.constant 0 : i32
      %dma_start3A_320 = arith.constant 0 : i32
      %dma_start3A_321 = tpu.memref_slice %arg2[%dma_start3A_319, %dma_start3A_320] : memref<8192x1024xf32, #tpu.memory_space<hbm>> -> memref<8192x1024xf32, #tpu.memory_space<hbm>>
      tpu.enqueue_indirect_dma source(%dma_start3A_321 : memref<8192x1024xf32, #tpu.memory_space<hbm>>) target(%dma_start3A_315 : memref<16x1024xf32, #tpu.memory_space<vmem>>) offsets(%dma_start3A_318 : memref<16xi32, #tpu.memory_space<vmem>>) semaphore(%arg8 : memref<!tpu.dma_semaphore, #tpu.memory_space<semaphore_mem>>)
      %dma_wait3A_322 = arith.constant 3 : i32
      %dma_wait3A_323 = arith.constant 0 : i32
      %dma_wait3A_324 = arith.constant 0 : i32
      %dma_wait3A_325 = tpu.memref_slice %arg6[%dma_wait3A_322, %dma_wait3A_323, %dma_wait3A_324] : memref<4x16x1024xf32, #tpu.memory_space<vmem>> -> memref<1x16x1024xf32, #tpu.memory_space<vmem>>
      %dma_wait3A_326 = tpu.memref_squeeze %dma_wait3A_325 : memref<1x16x1024xf32, #tpu.memory_space<vmem>> -> memref<16x1024xf32, #tpu.memory_space<vmem>>
      %dma_wait3A_327 = arith.constant 0 : i32
      %dma_wait3A_328 = arith.constant 0 : i32
      %dma_wait3A_329 = tpu.memref_slice %arg2[%dma_wait3A_327, %dma_wait3A_328] : memref<8192x1024xf32, #tpu.memory_space<hbm>> -> memref<16x1024xf32, #tpu.memory_space<hbm>>
      %dma_wait3A_330 = arith.constant 0 : i32
      %dma_wait3A_331 = arith.constant 0 : i32
      %dma_wait3A_332 = tpu.memref_slice %arg6[%dma_wait3A_322, %dma_wait3A_330, %dma_wait3A_331] : memref<4x16x1024xf32, #tpu.memory_space<vmem>> -> memref<1x16x1024xf32, #tpu.memory_space<vmem>>
      %dma_wait3A_333 = tpu.memref_squeeze %dma_wait3A_332 : memref<1x16x1024xf32, #tpu.memory_space<vmem>> -> memref<16x1024xf32, #tpu.memory_space<vmem>>
      %dma_wait3A_334 = arith.constant 0 : i32
      %dma_wait3A_335 = arith.constant 0 : i32
      %dma_wait3A_336 = tpu.memref_slice %arg2[%dma_wait3A_334, %dma_wait3A_335] : memref<8192x1024xf32, #tpu.memory_space<hbm>> -> memref<16x1024xf32, #tpu.memory_space<hbm>>
      tpu.wait_dma2 semaphore(%arg10 : memref<!tpu.dma_semaphore, #tpu.memory_space<semaphore_mem>>) src(%dma_wait3A_336 : memref<16x1024xf32, #tpu.memory_space<hbm>>) dst(%dma_wait3A_333 : memref<16x1024xf32, #tpu.memory_space<vmem>>)
      %mul3A_337 = arith.constant 16 : i32
      %mul3A_338 = arith.muli %add3A_295, %mul3A_337 : i32
      %add3A_339 = arith.addi %mul3A_2, %mul3A_338 : i32
      %dma_start3A_340 = arith.constant 3 : i32
      %dma_start3A_341 = arith.constant 0 : i32
      %dma_start3A_342 = arith.constant 0 : i32
      %dma_start3A_343 = tpu.memref_slice %arg6[%dma_start3A_340, %dma_start3A_341, %dma_start3A_342] : memref<4x16x1024xf32, #tpu.memory_space<vmem>> -> memref<1x16x1024xf32, #tpu.memory_space<vmem>>
      %dma_start3A_344 = tpu.memref_squeeze %dma_start3A_343 : memref<1x16x1024xf32, #tpu.memory_space<vmem>> -> memref<16x1024xf32, #tpu.memory_space<vmem>>
      %dma_start3A_345 = arith.constant 0 : i32
      %dma_start3A_346 = tpu.memref_slice %arg4[%add3A_339, %dma_start3A_345] : memref<32768x1024xf32, #tpu.memory_space<hbm>> -> memref<16x1024xf32, #tpu.memory_space<hbm>>
      %dma_start3A_347 = arith.constant 0 : i32
      %dma_start3A_348 = tpu.memref_slice %arg4[%add3A_339, %dma_start3A_347] : memref<32768x1024xf32, #tpu.memory_space<hbm>> -> memref<16x1024xf32, #tpu.memory_space<hbm>>
      %dma_start3A_349 = arith.constant 0 : i32
      %dma_start3A_350 = arith.constant 0 : i32
      %dma_start3A_351 = tpu.memref_slice %arg6[%dma_start3A_340, %dma_start3A_349, %dma_start3A_350] : memref<4x16x1024xf32, #tpu.memory_space<vmem>> -> memref<1x16x1024xf32, #tpu.memory_space<vmem>>
      %dma_start3A_352 = tpu.memref_squeeze %dma_start3A_351 : memref<1x16x1024xf32, #tpu.memory_space<vmem>> -> memref<16x1024xf32, #tpu.memory_space<vmem>>
      tpu.enqueue_dma source(%dma_start3A_352 : memref<16x1024xf32, #tpu.memory_space<vmem>>) target(%dma_start3A_348 : memref<16x1024xf32, #tpu.memory_space<hbm>>) target_semaphore(%arg14 : memref<!tpu.dma_semaphore, #tpu.memory_space<semaphore_mem>>)
      %mul3A_353 = arith.constant 4 : i32
      %mul3A_354 = arith.muli %scan3A_226, %mul3A_353 : i32
      %add3A_355 = arith.constant 2 : i32
      %add3A_356 = arith.addi %add3A_355, %mul3A_354 : i32
      %add3A_357 = arith.constant 2 : i32
      %add3A_358 = arith.addi %add3A_356, %add3A_357 : i32
      %dma_wait3A_359 = arith.constant 2 : i32
      %dma_wait3A_360 = arith.constant 0 : i32
      %dma_wait3A_361 = arith.constant 0 : i32
      %dma_wait3A_362 = tpu.memref_slice %arg6[%dma_wait3A_359, %dma_wait3A_360, %dma_wait3A_361] : memref<4x16x1024xf32, #tpu.memory_space<vmem>> -> memref<1x16x1024xf32, #tpu.memory_space<vmem>>
      %dma_wait3A_363 = tpu.memref_squeeze %dma_wait3A_362 : memref<1x16x1024xf32, #tpu.memory_space<vmem>> -> memref<16x1024xf32, #tpu.memory_space<vmem>>
      %dma_wait3A_364 = arith.constant 0 : i32
      %dma_wait3A_365 = tpu.memref_slice %arg4[%mul3A_2, %dma_wait3A_364] : memref<32768x1024xf32, #tpu.memory_space<hbm>> -> memref<16x1024xf32, #tpu.memory_space<hbm>>
      %dma_wait3A_366 = arith.constant 0 : i32
      %dma_wait3A_367 = tpu.memref_slice %arg4[%mul3A_2, %dma_wait3A_366] : memref<32768x1024xf32, #tpu.memory_space<hbm>> -> memref<16x1024xf32, #tpu.memory_space<hbm>>
      %dma_wait3A_368 = arith.constant 0 : i32
      %dma_wait3A_369 = arith.constant 0 : i32
      %dma_wait3A_370 = tpu.memref_slice %arg6[%dma_wait3A_359, %dma_wait3A_368, %dma_wait3A_369] : memref<4x16x1024xf32, #tpu.memory_space<vmem>> -> memref<1x16x1024xf32, #tpu.memory_space<vmem>>
      %dma_wait3A_371 = tpu.memref_squeeze %dma_wait3A_370 : memref<1x16x1024xf32, #tpu.memory_space<vmem>> -> memref<16x1024xf32, #tpu.memory_space<vmem>>
      tpu.wait_dma2 semaphore(%arg13 : memref<!tpu.dma_semaphore, #tpu.memory_space<semaphore_mem>>) src(%dma_wait3A_371 : memref<16x1024xf32, #tpu.memory_space<vmem>>) dst(%dma_wait3A_367 : memref<16x1024xf32, #tpu.memory_space<hbm>>)
      %add3A_372 = arith.constant 2 : i32
      %add3A_373 = arith.addi %add3A_358, %add3A_372 : i32
      %dma_start3A_374 = arith.constant 2 : i32
      %dma_start3A_375 = arith.constant 0 : i32
      %dma_start3A_376 = arith.constant 0 : i32
      %dma_start3A_377 = tpu.memref_slice %arg6[%dma_start3A_374, %dma_start3A_375, %dma_start3A_376] : memref<4x16x1024xf32, #tpu.memory_space<vmem>> -> memref<1x16x1024xf32, #tpu.memory_space<vmem>>
      %dma_start3A_378 = tpu.memref_squeeze %dma_start3A_377 : memref<1x16x1024xf32, #tpu.memory_space<vmem>> -> memref<16x1024xf32, #tpu.memory_space<vmem>>
      %dma_start3A_379 = arith.constant 0 : i32
      %dma_start3A_380 = tpu.memref_slice %arg5[%add3A_373, %dma_start3A_379] : memref<64x16xi32, #tpu.memory_space<vmem>> -> memref<1x16xi32, #tpu.memory_space<vmem>>
      %dma_start3A_381 = tpu.memref_squeeze %dma_start3A_380 : memref<1x16xi32, #tpu.memory_space<vmem>> -> memref<16xi32, #tpu.memory_space<vmem>>
      %dma_start3A_382 = arith.constant 0 : i32
      %dma_start3A_383 = arith.constant 0 : i32
      %dma_start3A_384 = tpu.memref_slice %arg2[%dma_start3A_382, %dma_start3A_383] : memref<8192x1024xf32, #tpu.memory_space<hbm>> -> memref<8192x1024xf32, #tpu.memory_space<hbm>>
      tpu.enqueue_indirect_dma source(%dma_start3A_384 : memref<8192x1024xf32, #tpu.memory_space<hbm>>) target(%dma_start3A_378 : memref<16x1024xf32, #tpu.memory_space<vmem>>) offsets(%dma_start3A_381 : memref<16xi32, #tpu.memory_space<vmem>>) semaphore(%arg9 : memref<!tpu.dma_semaphore, #tpu.memory_space<semaphore_mem>>)
      %dma_wait3A_385 = arith.constant 0 : i32
      %dma_wait3A_386 = arith.constant 0 : i32
      %dma_wait3A_387 = arith.constant 0 : i32
      %dma_wait3A_388 = tpu.memref_slice %arg6[%dma_wait3A_385, %dma_wait3A_386, %dma_wait3A_387] : memref<4x16x1024xf32, #tpu.memory_space<vmem>> -> memref<1x16x1024xf32, #tpu.memory_space<vmem>>
      %dma_wait3A_389 = tpu.memref_squeeze %dma_wait3A_388 : memref<1x16x1024xf32, #tpu.memory_space<vmem>> -> memref<16x1024xf32, #tpu.memory_space<vmem>>
      %dma_wait3A_390 = arith.constant 0 : i32
      %dma_wait3A_391 = arith.constant 0 : i32
      %dma_wait3A_392 = tpu.memref_slice %arg2[%dma_wait3A_390, %dma_wait3A_391] : memref<8192x1024xf32, #tpu.memory_space<hbm>> -> memref<16x1024xf32, #tpu.memory_space<hbm>>
      %dma_wait3A_393 = arith.constant 0 : i32
      %dma_wait3A_394 = arith.constant 0 : i32
      %dma_wait3A_395 = tpu.memref_slice %arg6[%dma_wait3A_385, %dma_wait3A_393, %dma_wait3A_394] : memref<4x16x1024xf32, #tpu.memory_space<vmem>> -> memref<1x16x1024xf32, #tpu.memory_space<vmem>>
      %dma_wait3A_396 = tpu.memref_squeeze %dma_wait3A_395 : memref<1x16x1024xf32, #tpu.memory_space<vmem>> -> memref<16x1024xf32, #tpu.memory_space<vmem>>
      %dma_wait3A_397 = arith.constant 0 : i32
      %dma_wait3A_398 = arith.constant 0 : i32
      %dma_wait3A_399 = tpu.memref_slice %arg2[%dma_wait3A_397, %dma_wait3A_398] : memref<8192x1024xf32, #tpu.memory_space<hbm>> -> memref<16x1024xf32, #tpu.memory_space<hbm>>
      tpu.wait_dma2 semaphore(%arg7 : memref<!tpu.dma_semaphore, #tpu.memory_space<semaphore_mem>>) src(%dma_wait3A_399 : memref<16x1024xf32, #tpu.memory_space<hbm>>) dst(%dma_wait3A_396 : memref<16x1024xf32, #tpu.memory_space<vmem>>)
      %mul3A_400 = arith.constant 16 : i32
      %mul3A_401 = arith.muli %add3A_358, %mul3A_400 : i32
      %add3A_402 = arith.addi %mul3A_2, %mul3A_401 : i32
      %dma_start3A_403 = arith.constant 0 : i32
      %dma_start3A_404 = arith.constant 0 : i32
      %dma_start3A_405 = arith.constant 0 : i32
      %dma_start3A_406 = tpu.memref_slice %arg6[%dma_start3A_403, %dma_start3A_404, %dma_start3A_405] : memref<4x16x1024xf32, #tpu.memory_space<vmem>> -> memref<1x16x1024xf32, #tpu.memory_space<vmem>>
      %dma_start3A_407 = tpu.memref_squeeze %dma_start3A_406 : memref<1x16x1024xf32, #tpu.memory_space<vmem>> -> memref<16x1024xf32, #tpu.memory_space<vmem>>
      %dma_start3A_408 = arith.constant 0 : i32
      %dma_start3A_409 = tpu.memref_slice %arg4[%add3A_402, %dma_start3A_408] : memref<32768x1024xf32, #tpu.memory_space<hbm>> -> memref<16x1024xf32, #tpu.memory_space<hbm>>
      %dma_start3A_410 = arith.constant 0 : i32
      %dma_start3A_411 = tpu.memref_slice %arg4[%add3A_402, %dma_start3A_410] : memref<32768x1024xf32, #tpu.memory_space<hbm>> -> memref<16x1024xf32, #tpu.memory_space<hbm>>
      %dma_start3A_412 = arith.constant 0 : i32
      %dma_start3A_413 = arith.constant 0 : i32
      %dma_start3A_414 = tpu.memref_slice %arg6[%dma_start3A_403, %dma_start3A_412, %dma_start3A_413] : memref<4x16x1024xf32, #tpu.memory_space<vmem>> -> memref<1x16x1024xf32, #tpu.memory_space<vmem>>
      %dma_start3A_415 = tpu.memref_squeeze %dma_start3A_414 : memref<1x16x1024xf32, #tpu.memory_space<vmem>> -> memref<16x1024xf32, #tpu.memory_space<vmem>>
      tpu.enqueue_dma source(%dma_start3A_415 : memref<16x1024xf32, #tpu.memory_space<vmem>>) target(%dma_start3A_411 : memref<16x1024xf32, #tpu.memory_space<hbm>>) target_semaphore(%arg11 : memref<!tpu.dma_semaphore, #tpu.memory_space<semaphore_mem>>)
      %mul3A_416 = arith.constant 4 : i32
      %mul3A_417 = arith.muli %scan3A_226, %mul3A_416 : i32
      %add3A_418 = arith.constant 2 : i32
      %add3A_419 = arith.addi %add3A_418, %mul3A_417 : i32
      %add3A_420 = arith.constant 3 : i32
      %add3A_421 = arith.addi %add3A_419, %add3A_420 : i32
      %dma_wait3A_422 = arith.constant 3 : i32
      %dma_wait3A_423 = arith.constant 0 : i32
      %dma_wait3A_424 = arith.constant 0 : i32
      %dma_wait3A_425 = tpu.memref_slice %arg6[%dma_wait3A_422, %dma_wait3A_423, %dma_wait3A_424] : memref<4x16x1024xf32, #tpu.memory_space<vmem>> -> memref<1x16x1024xf32, #tpu.memory_space<vmem>>
      %dma_wait3A_426 = tpu.memref_squeeze %dma_wait3A_425 : memref<1x16x1024xf32, #tpu.memory_space<vmem>> -> memref<16x1024xf32, #tpu.memory_space<vmem>>
      %dma_wait3A_427 = arith.constant 0 : i32
      %dma_wait3A_428 = tpu.memref_slice %arg4[%mul3A_2, %dma_wait3A_427] : memref<32768x1024xf32, #tpu.memory_space<hbm>> -> memref<16x1024xf32, #tpu.memory_space<hbm>>
      %dma_wait3A_429 = arith.constant 0 : i32
      %dma_wait3A_430 = tpu.memref_slice %arg4[%mul3A_2, %dma_wait3A_429] : memref<32768x1024xf32, #tpu.memory_space<hbm>> -> memref<16x1024xf32, #tpu.memory_space<hbm>>
      %dma_wait3A_431 = arith.constant 0 : i32
      %dma_wait3A_432 = arith.constant 0 : i32
      %dma_wait3A_433 = tpu.memref_slice %arg6[%dma_wait3A_422, %dma_wait3A_431, %dma_wait3A_432] : memref<4x16x1024xf32, #tpu.memory_space<vmem>> -> memref<1x16x1024xf32, #tpu.memory_space<vmem>>
      %dma_wait3A_434 = tpu.memref_squeeze %dma_wait3A_433 : memref<1x16x1024xf32, #tpu.memory_space<vmem>> -> memref<16x1024xf32, #tpu.memory_space<vmem>>
      tpu.wait_dma2 semaphore(%arg14 : memref<!tpu.dma_semaphore, #tpu.memory_space<semaphore_mem>>) src(%dma_wait3A_434 : memref<16x1024xf32, #tpu.memory_space<vmem>>) dst(%dma_wait3A_430 : memref<16x1024xf32, #tpu.memory_space<hbm>>)
      %add3A_435 = arith.constant 2 : i32
      %add3A_436 = arith.addi %add3A_421, %add3A_435 : i32
      %dma_start3A_437 = arith.constant 3 : i32
      %dma_start3A_438 = arith.constant 0 : i32
      %dma_start3A_439 = arith.constant 0 : i32
      %dma_start3A_440 = tpu.memref_slice %arg6[%dma_start3A_437, %dma_start3A_438, %dma_start3A_439] : memref<4x16x1024xf32, #tpu.memory_space<vmem>> -> memref<1x16x1024xf32, #tpu.memory_space<vmem>>
      %dma_start3A_441 = tpu.memref_squeeze %dma_start3A_440 : memref<1x16x1024xf32, #tpu.memory_space<vmem>> -> memref<16x1024xf32, #tpu.memory_space<vmem>>
      %dma_start3A_442 = arith.constant 0 : i32
      %dma_start3A_443 = tpu.memref_slice %arg5[%add3A_436, %dma_start3A_442] : memref<64x16xi32, #tpu.memory_space<vmem>> -> memref<1x16xi32, #tpu.memory_space<vmem>>
      %dma_start3A_444 = tpu.memref_squeeze %dma_start3A_443 : memref<1x16xi32, #tpu.memory_space<vmem>> -> memref<16xi32, #tpu.memory_space<vmem>>
      %dma_start3A_445 = arith.constant 0 : i32
      %dma_start3A_446 = arith.constant 0 : i32
      %dma_start3A_447 = tpu.memref_slice %arg2[%dma_start3A_445, %dma_start3A_446] : memref<8192x1024xf32, #tpu.memory_space<hbm>> -> memref<8192x1024xf32, #tpu.memory_space<hbm>>
      tpu.enqueue_indirect_dma source(%dma_start3A_447 : memref<8192x1024xf32, #tpu.memory_space<hbm>>) target(%dma_start3A_441 : memref<16x1024xf32, #tpu.memory_space<vmem>>) offsets(%dma_start3A_444 : memref<16xi32, #tpu.memory_space<vmem>>) semaphore(%arg10 : memref<!tpu.dma_semaphore, #tpu.memory_space<semaphore_mem>>)
      %dma_wait3A_448 = arith.constant 1 : i32
      %dma_wait3A_449 = arith.constant 0 : i32
      %dma_wait3A_450 = arith.constant 0 : i32
      %dma_wait3A_451 = tpu.memref_slice %arg6[%dma_wait3A_448, %dma_wait3A_449, %dma_wait3A_450] : memref<4x16x1024xf32, #tpu.memory_space<vmem>> -> memref<1x16x1024xf32, #tpu.memory_space<vmem>>
      %dma_wait3A_452 = tpu.memref_squeeze %dma_wait3A_451 : memref<1x16x1024xf32, #tpu.memory_space<vmem>> -> memref<16x1024xf32, #tpu.memory_space<vmem>>
      %dma_wait3A_453 = arith.constant 0 : i32
      %dma_wait3A_454 = arith.constant 0 : i32
      %dma_wait3A_455 = tpu.memref_slice %arg2[%dma_wait3A_453, %dma_wait3A_454] : memref<8192x1024xf32, #tpu.memory_space<hbm>> -> memref<16x1024xf32, #tpu.memory_space<hbm>>
      %dma_wait3A_456 = arith.constant 0 : i32
      %dma_wait3A_457 = arith.constant 0 : i32
      %dma_wait3A_458 = tpu.memref_slice %arg6[%dma_wait3A_448, %dma_wait3A_456, %dma_wait3A_457] : memref<4x16x1024xf32, #tpu.memory_space<vmem>> -> memref<1x16x1024xf32, #tpu.memory_space<vmem>>
      %dma_wait3A_459 = tpu.memref_squeeze %dma_wait3A_458 : memref<1x16x1024xf32, #tpu.memory_space<vmem>> -> memref<16x1024xf32, #tpu.memory_space<vmem>>
      %dma_wait3A_460 = arith.constant 0 : i32
      %dma_wait3A_461 = arith.constant 0 : i32
      %dma_wait3A_462 = tpu.memref_slice %arg2[%dma_wait3A_460, %dma_wait3A_461] : memref<8192x1024xf32, #tpu.memory_space<hbm>> -> memref<16x1024xf32, #tpu.memory_space<hbm>>
      tpu.wait_dma2 semaphore(%arg8 : memref<!tpu.dma_semaphore, #tpu.memory_space<semaphore_mem>>) src(%dma_wait3A_462 : memref<16x1024xf32, #tpu.memory_space<hbm>>) dst(%dma_wait3A_459 : memref<16x1024xf32, #tpu.memory_space<vmem>>)
      %mul3A_463 = arith.constant 16 : i32
      %mul3A_464 = arith.muli %add3A_421, %mul3A_463 : i32
      %add3A_465 = arith.addi %mul3A_2, %mul3A_464 : i32
      %dma_start3A_466 = arith.constant 1 : i32
      %dma_start3A_467 = arith.constant 0 : i32
      %dma_start3A_468 = arith.constant 0 : i32
      %dma_start3A_469 = tpu.memref_slice %arg6[%dma_start3A_466, %dma_start3A_467, %dma_start3A_468] : memref<4x16x1024xf32, #tpu.memory_space<vmem>> -> memref<1x16x1024xf32, #tpu.memory_space<vmem>>
      %dma_start3A_470 = tpu.memref_squeeze %dma_start3A_469 : memref<1x16x1024xf32, #tpu.memory_space<vmem>> -> memref<16x1024xf32, #tpu.memory_space<vmem>>
      %dma_start3A_471 = arith.constant 0 : i32
      %dma_start3A_472 = tpu.memref_slice %arg4[%add3A_465, %dma_start3A_471] : memref<32768x1024xf32, #tpu.memory_space<hbm>> -> memref<16x1024xf32, #tpu.memory_space<hbm>>
      %dma_start3A_473 = arith.constant 0 : i32
      %dma_start3A_474 = tpu.memref_slice %arg4[%add3A_465, %dma_start3A_473] : memref<32768x1024xf32, #tpu.memory_space<hbm>> -> memref<16x1024xf32, #tpu.memory_space<hbm>>
      %dma_start3A_475 = arith.constant 0 : i32
      %dma_start3A_476 = arith.constant 0 : i32
      %dma_start3A_477 = tpu.memref_slice %arg6[%dma_start3A_466, %dma_start3A_475, %dma_start3A_476] : memref<4x16x1024xf32, #tpu.memory_space<vmem>> -> memref<1x16x1024xf32, #tpu.memory_space<vmem>>
      %dma_start3A_478 = tpu.memref_squeeze %dma_start3A_477 : memref<1x16x1024xf32, #tpu.memory_space<vmem>> -> memref<16x1024xf32, #tpu.memory_space<vmem>>
      tpu.enqueue_dma source(%dma_start3A_478 : memref<16x1024xf32, #tpu.memory_space<vmem>>) target(%dma_start3A_474 : memref<16x1024xf32, #tpu.memory_space<hbm>>) target_semaphore(%arg12 : memref<!tpu.dma_semaphore, #tpu.memory_space<semaphore_mem>>)
    }
    %scan3A_113 = arith.constant 15 : i32
    %dma_wait3A_114 = arith.constant 2 : i32
    %dma_wait3A_115 = arith.constant 0 : i32
    %dma_wait3A_116 = arith.constant 0 : i32
    %dma_wait3A_117 = tpu.memref_slice %arg6[%dma_wait3A_114, %dma_wait3A_115, %dma_wait3A_116] : memref<4x16x1024xf32, #tpu.memory_space<vmem>> -> memref<1x16x1024xf32, #tpu.memory_space<vmem>>
    %dma_wait3A_118 = tpu.memref_squeeze %dma_wait3A_117 : memref<1x16x1024xf32, #tpu.memory_space<vmem>> -> memref<16x1024xf32, #tpu.memory_space<vmem>>
    %dma_wait3A_119 = arith.constant 0 : i32
    %dma_wait3A_120 = arith.constant 0 : i32
    %dma_wait3A_121 = tpu.memref_slice %arg2[%dma_wait3A_119, %dma_wait3A_120] : memref<8192x1024xf32, #tpu.memory_space<hbm>> -> memref<16x1024xf32, #tpu.memory_space<hbm>>
    %dma_wait3A_122 = arith.constant 0 : i32
    %dma_wait3A_123 = arith.constant 0 : i32
    %dma_wait3A_124 = tpu.memref_slice %arg6[%dma_wait3A_114, %dma_wait3A_122, %dma_wait3A_123] : memref<4x16x1024xf32, #tpu.memory_space<vmem>> -> memref<1x16x1024xf32, #tpu.memory_space<vmem>>
    %dma_wait3A_125 = tpu.memref_squeeze %dma_wait3A_124 : memref<1x16x1024xf32, #tpu.memory_space<vmem>> -> memref<16x1024xf32, #tpu.memory_space<vmem>>
    %dma_wait3A_126 = arith.constant 0 : i32
    %dma_wait3A_127 = arith.constant 0 : i32
    %dma_wait3A_128 = tpu.memref_slice %arg2[%dma_wait3A_126, %dma_wait3A_127] : memref<8192x1024xf32, #tpu.memory_space<hbm>> -> memref<16x1024xf32, #tpu.memory_space<hbm>>
    tpu.wait_dma2 semaphore(%arg9 : memref<!tpu.dma_semaphore, #tpu.memory_space<semaphore_mem>>) src(%dma_wait3A_128 : memref<16x1024xf32, #tpu.memory_space<hbm>>) dst(%dma_wait3A_125 : memref<16x1024xf32, #tpu.memory_space<vmem>>)
    %add3A_129 = arith.constant 992 : i32
    %add3A_130 = arith.addi %mul3A_2, %add3A_129 : i32
    %dma_start3A_131 = arith.constant 2 : i32
    %dma_start3A_132 = arith.constant 0 : i32
    %dma_start3A_133 = arith.constant 0 : i32
    %dma_start3A_134 = tpu.memref_slice %arg6[%dma_start3A_131, %dma_start3A_132, %dma_start3A_133] : memref<4x16x1024xf32, #tpu.memory_space<vmem>> -> memref<1x16x1024xf32, #tpu.memory_space<vmem>>
    %dma_start3A_135 = tpu.memref_squeeze %dma_start3A_134 : memref<1x16x1024xf32, #tpu.memory_space<vmem>> -> memref<16x1024xf32, #tpu.memory_space<vmem>>
    %dma_start3A_136 = arith.constant 0 : i32
    %dma_start3A_137 = tpu.memref_slice %arg4[%add3A_130, %dma_start3A_136] : memref<32768x1024xf32, #tpu.memory_space<hbm>> -> memref<16x1024xf32, #tpu.memory_space<hbm>>
    %dma_start3A_138 = arith.constant 0 : i32
    %dma_start3A_139 = tpu.memref_slice %arg4[%add3A_130, %dma_start3A_138] : memref<32768x1024xf32, #tpu.memory_space<hbm>> -> memref<16x1024xf32, #tpu.memory_space<hbm>>
    %dma_start3A_140 = arith.constant 0 : i32
    %dma_start3A_141 = arith.constant 0 : i32
    %dma_start3A_142 = tpu.memref_slice %arg6[%dma_start3A_131, %dma_start3A_140, %dma_start3A_141] : memref<4x16x1024xf32, #tpu.memory_space<vmem>> -> memref<1x16x1024xf32, #tpu.memory_space<vmem>>
    %dma_start3A_143 = tpu.memref_squeeze %dma_start3A_142 : memref<1x16x1024xf32, #tpu.memory_space<vmem>> -> memref<16x1024xf32, #tpu.memory_space<vmem>>
    tpu.enqueue_dma source(%dma_start3A_143 : memref<16x1024xf32, #tpu.memory_space<vmem>>) target(%dma_start3A_139 : memref<16x1024xf32, #tpu.memory_space<hbm>>) target_semaphore(%arg13 : memref<!tpu.dma_semaphore, #tpu.memory_space<semaphore_mem>>)
    %dma_wait3A_144 = arith.constant 3 : i32
    %dma_wait3A_145 = arith.constant 0 : i32
    %dma_wait3A_146 = arith.constant 0 : i32
    %dma_wait3A_147 = tpu.memref_slice %arg6[%dma_wait3A_144, %dma_wait3A_145, %dma_wait3A_146] : memref<4x16x1024xf32, #tpu.memory_space<vmem>> -> memref<1x16x1024xf32, #tpu.memory_space<vmem>>
    %dma_wait3A_148 = tpu.memref_squeeze %dma_wait3A_147 : memref<1x16x1024xf32, #tpu.memory_space<vmem>> -> memref<16x1024xf32, #tpu.memory_space<vmem>>
    %dma_wait3A_149 = arith.constant 0 : i32
    %dma_wait3A_150 = arith.constant 0 : i32
    %dma_wait3A_151 = tpu.memref_slice %arg2[%dma_wait3A_149, %dma_wait3A_150] : memref<8192x1024xf32, #tpu.memory_space<hbm>> -> memref<16x1024xf32, #tpu.memory_space<hbm>>
    %dma_wait3A_152 = arith.constant 0 : i32
    %dma_wait3A_153 = arith.constant 0 : i32
    %dma_wait3A_154 = tpu.memref_slice %arg6[%dma_wait3A_144, %dma_wait3A_152, %dma_wait3A_153] : memref<4x16x1024xf32, #tpu.memory_space<vmem>> -> memref<1x16x1024xf32, #tpu.memory_space<vmem>>
    %dma_wait3A_155 = tpu.memref_squeeze %dma_wait3A_154 : memref<1x16x1024xf32, #tpu.memory_space<vmem>> -> memref<16x1024xf32, #tpu.memory_space<vmem>>
    %dma_wait3A_156 = arith.constant 0 : i32
    %dma_wait3A_157 = arith.constant 0 : i32
    %dma_wait3A_158 = tpu.memref_slice %arg2[%dma_wait3A_156, %dma_wait3A_157] : memref<8192x1024xf32, #tpu.memory_space<hbm>> -> memref<16x1024xf32, #tpu.memory_space<hbm>>
    tpu.wait_dma2 semaphore(%arg10 : memref<!tpu.dma_semaphore, #tpu.memory_space<semaphore_mem>>) src(%dma_wait3A_158 : memref<16x1024xf32, #tpu.memory_space<hbm>>) dst(%dma_wait3A_155 : memref<16x1024xf32, #tpu.memory_space<vmem>>)
    %add3A_159 = arith.constant 1008 : i32
    %add3A_160 = arith.addi %mul3A_2, %add3A_159 : i32
    %dma_start3A_161 = arith.constant 3 : i32
    %dma_start3A_162 = arith.constant 0 : i32
    %dma_start3A_163 = arith.constant 0 : i32
    %dma_start3A_164 = tpu.memref_slice %arg6[%dma_start3A_161, %dma_start3A_162, %dma_start3A_163] : memref<4x16x1024xf32, #tpu.memory_space<vmem>> -> memref<1x16x1024xf32, #tpu.memory_space<vmem>>
    %dma_start3A_165 = tpu.memref_squeeze %dma_start3A_164 : memref<1x16x1024xf32, #tpu.memory_space<vmem>> -> memref<16x1024xf32, #tpu.memory_space<vmem>>
    %dma_start3A_166 = arith.constant 0 : i32
    %dma_start3A_167 = tpu.memref_slice %arg4[%add3A_160, %dma_start3A_166] : memref<32768x1024xf32, #tpu.memory_space<hbm>> -> memref<16x1024xf32, #tpu.memory_space<hbm>>
    %dma_start3A_168 = arith.constant 0 : i32
    %dma_start3A_169 = tpu.memref_slice %arg4[%add3A_160, %dma_start3A_168] : memref<32768x1024xf32, #tpu.memory_space<hbm>> -> memref<16x1024xf32, #tpu.memory_space<hbm>>
    %dma_start3A_170 = arith.constant 0 : i32
    %dma_start3A_171 = arith.constant 0 : i32
    %dma_start3A_172 = tpu.memref_slice %arg6[%dma_start3A_161, %dma_start3A_170, %dma_start3A_171] : memref<4x16x1024xf32, #tpu.memory_space<vmem>> -> memref<1x16x1024xf32, #tpu.memory_space<vmem>>
    %dma_start3A_173 = tpu.memref_squeeze %dma_start3A_172 : memref<1x16x1024xf32, #tpu.memory_space<vmem>> -> memref<16x1024xf32, #tpu.memory_space<vmem>>
    tpu.enqueue_dma source(%dma_start3A_173 : memref<16x1024xf32, #tpu.memory_space<vmem>>) target(%dma_start3A_169 : memref<16x1024xf32, #tpu.memory_space<hbm>>) target_semaphore(%arg14 : memref<!tpu.dma_semaphore, #tpu.memory_space<semaphore_mem>>)
    %dma_wait3A_174 = arith.constant 0 : i32
    %dma_wait3A_175 = arith.constant 0 : i32
    %dma_wait3A_176 = arith.constant 0 : i32
    %dma_wait3A_177 = tpu.memref_slice %arg6[%dma_wait3A_174, %dma_wait3A_175, %dma_wait3A_176] : memref<4x16x1024xf32, #tpu.memory_space<vmem>> -> memref<1x16x1024xf32, #tpu.memory_space<vmem>>
    %dma_wait3A_178 = tpu.memref_squeeze %dma_wait3A_177 : memref<1x16x1024xf32, #tpu.memory_space<vmem>> -> memref<16x1024xf32, #tpu.memory_space<vmem>>
    %dma_wait3A_179 = arith.constant 0 : i32
    %dma_wait3A_180 = tpu.memref_slice %arg4[%mul3A_2, %dma_wait3A_179] : memref<32768x1024xf32, #tpu.memory_space<hbm>> -> memref<16x1024xf32, #tpu.memory_space<hbm>>
    %dma_wait3A_181 = arith.constant 0 : i32
    %dma_wait3A_182 = tpu.memref_slice %arg4[%mul3A_2, %dma_wait3A_181] : memref<32768x1024xf32, #tpu.memory_space<hbm>> -> memref<16x1024xf32, #tpu.memory_space<hbm>>
    %dma_wait3A_183 = arith.constant 0 : i32
    %dma_wait3A_184 = arith.constant 0 : i32
    %dma_wait3A_185 = tpu.memref_slice %arg6[%dma_wait3A_174, %dma_wait3A_183, %dma_wait3A_184] : memref<4x16x1024xf32, #tpu.memory_space<vmem>> -> memref<1x16x1024xf32, #tpu.memory_space<vmem>>
    %dma_wait3A_186 = tpu.memref_squeeze %dma_wait3A_185 : memref<1x16x1024xf32, #tpu.memory_space<vmem>> -> memref<16x1024xf32, #tpu.memory_space<vmem>>
    tpu.wait_dma2 semaphore(%arg11 : memref<!tpu.dma_semaphore, #tpu.memory_space<semaphore_mem>>) src(%dma_wait3A_186 : memref<16x1024xf32, #tpu.memory_space<vmem>>) dst(%dma_wait3A_182 : memref<16x1024xf32, #tpu.memory_space<hbm>>)
    %dma_wait3A_187 = arith.constant 1 : i32
    %dma_wait3A_188 = arith.constant 0 : i32
    %dma_wait3A_189 = arith.constant 0 : i32
    %dma_wait3A_190 = tpu.memref_slice %arg6[%dma_wait3A_187, %dma_wait3A_188, %dma_wait3A_189] : memref<4x16x1024xf32, #tpu.memory_space<vmem>> -> memref<1x16x1024xf32, #tpu.memory_space<vmem>>
    %dma_wait3A_191 = tpu.memref_squeeze %dma_wait3A_190 : memref<1x16x1024xf32, #tpu.memory_space<vmem>> -> memref<16x1024xf32, #tpu.memory_space<vmem>>
    %dma_wait3A_192 = arith.constant 0 : i32
    %dma_wait3A_193 = tpu.memref_slice %arg4[%mul3A_2, %dma_wait3A_192] : memref<32768x1024xf32, #tpu.memory_space<hbm>> -> memref<16x1024xf32, #tpu.memory_space<hbm>>
    %dma_wait3A_194 = arith.constant 0 : i32
    %dma_wait3A_195 = tpu.memref_slice %arg4[%mul3A_2, %dma_wait3A_194] : memref<32768x1024xf32, #tpu.memory_space<hbm>> -> memref<16x1024xf32, #tpu.memory_space<hbm>>
    %dma_wait3A_196 = arith.constant 0 : i32
    %dma_wait3A_197 = arith.constant 0 : i32
    %dma_wait3A_198 = tpu.memref_slice %arg6[%dma_wait3A_187, %dma_wait3A_196, %dma_wait3A_197] : memref<4x16x1024xf32, #tpu.memory_space<vmem>> -> memref<1x16x1024xf32, #tpu.memory_space<vmem>>
    %dma_wait3A_199 = tpu.memref_squeeze %dma_wait3A_198 : memref<1x16x1024xf32, #tpu.memory_space<vmem>> -> memref<16x1024xf32, #tpu.memory_space<vmem>>
    tpu.wait_dma2 semaphore(%arg12 : memref<!tpu.dma_semaphore, #tpu.memory_space<semaphore_mem>>) src(%dma_wait3A_199 : memref<16x1024xf32, #tpu.memory_space<vmem>>) dst(%dma_wait3A_195 : memref<16x1024xf32, #tpu.memory_space<hbm>>)
    %dma_wait3A_200 = arith.constant 2 : i32
    %dma_wait3A_201 = arith.constant 0 : i32
    %dma_wait3A_202 = arith.constant 0 : i32
    %dma_wait3A_203 = tpu.memref_slice %arg6[%dma_wait3A_200, %dma_wait3A_201, %dma_wait3A_202] : memref<4x16x1024xf32, #tpu.memory_space<vmem>> -> memref<1x16x1024xf32, #tpu.memory_space<vmem>>
    %dma_wait3A_204 = tpu.memref_squeeze %dma_wait3A_203 : memref<1x16x1024xf32, #tpu.memory_space<vmem>> -> memref<16x1024xf32, #tpu.memory_space<vmem>>
    %dma_wait3A_205 = arith.constant 0 : i32
    %dma_wait3A_206 = tpu.memref_slice %arg4[%mul3A_2, %dma_wait3A_205] : memref<32768x1024xf32, #tpu.memory_space<hbm>> -> memref<16x1024xf32, #tpu.memory_space<hbm>>
    %dma_wait3A_207 = arith.constant 0 : i32
    %dma_wait3A_208 = tpu.memref_slice %arg4[%mul3A_2, %dma_wait3A_207] : memref<32768x1024xf32, #tpu.memory_space<hbm>> -> memref<16x1024xf32, #tpu.memory_space<hbm>>
    %dma_wait3A_209 = arith.constant 0 : i32
    %dma_wait3A_210 = arith.constant 0 : i32
    %dma_wait3A_211 = tpu.memref_slice %arg6[%dma_wait3A_200, %dma_wait3A_209, %dma_wait3A_210] : memref<4x16x1024xf32, #tpu.memory_space<vmem>> -> memref<1x16x1024xf32, #tpu.memory_space<vmem>>
    %dma_wait3A_212 = tpu.memref_squeeze %dma_wait3A_211 : memref<1x16x1024xf32, #tpu.memory_space<vmem>> -> memref<16x1024xf32, #tpu.memory_space<vmem>>
    tpu.wait_dma2 semaphore(%arg13 : memref<!tpu.dma_semaphore, #tpu.memory_space<semaphore_mem>>) src(%dma_wait3A_212 : memref<16x1024xf32, #tpu.memory_space<vmem>>) dst(%dma_wait3A_208 : memref<16x1024xf32, #tpu.memory_space<hbm>>)
    %dma_wait3A_213 = arith.constant 3 : i32
    %dma_wait3A_214 = arith.constant 0 : i32
    %dma_wait3A_215 = arith.constant 0 : i32
    %dma_wait3A_216 = tpu.memref_slice %arg6[%dma_wait3A_213, %dma_wait3A_214, %dma_wait3A_215] : memref<4x16x1024xf32, #tpu.memory_space<vmem>> -> memref<1x16x1024xf32, #tpu.memory_space<vmem>>
    %dma_wait3A_217 = tpu.memref_squeeze %dma_wait3A_216 : memref<1x16x1024xf32, #tpu.memory_space<vmem>> -> memref<16x1024xf32, #tpu.memory_space<vmem>>
    %dma_wait3A_218 = arith.constant 0 : i32
    %dma_wait3A_219 = tpu.memref_slice %arg4[%mul3A_2, %dma_wait3A_218] : memref<32768x1024xf32, #tpu.memory_space<hbm>> -> memref<16x1024xf32, #tpu.memory_space<hbm>>
    %dma_wait3A_220 = arith.constant 0 : i32
    %dma_wait3A_221 = tpu.memref_slice %arg4[%mul3A_2, %dma_wait3A_220] : memref<32768x1024xf32, #tpu.memory_space<hbm>> -> memref<16x1024xf32, #tpu.memory_space<hbm>>
    %dma_wait3A_222 = arith.constant 0 : i32
    %dma_wait3A_223 = arith.constant 0 : i32
    %dma_wait3A_224 = tpu.memref_slice %arg6[%dma_wait3A_213, %dma_wait3A_222, %dma_wait3A_223] : memref<4x16x1024xf32, #tpu.memory_space<vmem>> -> memref<1x16x1024xf32, #tpu.memory_space<vmem>>
    %dma_wait3A_225 = tpu.memref_squeeze %dma_wait3A_224 : memref<1x16x1024xf32, #tpu.memory_space<vmem>> -> memref<16x1024xf32, #tpu.memory_space<vmem>>
    tpu.wait_dma2 semaphore(%arg14 : memref<!tpu.dma_semaphore, #tpu.memory_space<semaphore_mem>>) src(%dma_wait3A_225 : memref<16x1024xf32, #tpu.memory_space<vmem>>) dst(%dma_wait3A_221 : memref<16x1024xf32, #tpu.memory_space<hbm>>)
    return
  }
}

</mosaic_0001>

<sc_bundles>
// kernel: kernel.3.cloned.1.call-start
scs
__scs_entry_jumppad:
0x0: {  	(pc) =	sbr.rel $0x88, $3  }
0x1: {  	(tag) =	ssettag $0x0;
	lr =	simm.s32 $0x1  }
0x2: {  	[smem:$0x3F9F] =	sst lr;
	_ =	strace $0xD0000000  }
0x3: {  	_ = 	snop  }
0x4: {  	_ = 	snop  }
0x5: {  	_ = 	snop  }
0x6: {  	_ = 	snop  }
0x7: {  	_ = 	snop  }
__scs_overlays_trampoline_lowered:
0x8: {  	[smem:$0x3FAE] =	sst s0  }
0x9: {  	[smem:$0x3FAF] =	sst s1  }
0xa: {  	[smem:$0x3FB0] =	sst s2  }
0xb: {  	[smem:$0x3FB1] =	sst s3  }
0xc: {  	[smem:$0x3FB2] =	sst s4  }
0xd: {  	[smem:$0x3FB3] =	sst s5  }
0xe: {  	[smem:$0x3FB4] =	sst s6  }
0xf: {  	[smem:$0x3FB5] =	sst s7  }
0x10: {  	[smem:$0x3FB6] =	sst s8  }
0x11: {  	[smem:$0x3FB7] =	sst s9;
	s0 =	simm.s32 @!p0 $0x0  }
0x12: {  	s1 =	sld [smem:$0x3F9D];
	s0 =	simm.s32 @p0 $0x1  }
0x13: {  	[smem:$0x3FB8] =	sst s0;
	s0 =	simm.s32 @!p1 $0x0  }
0x14: {  	s2 =	sld [smem:$0x3F9C];
	s0 =	simm.s32 @p1 $0x1  }
0x15: {  	[smem:$0x3FB9] =	sst s0;
	s0 =	simm.s32 @!p2 $0x0  }
0x16: {  	s3 =	sld [smem:$0x3FDB];
	s0 =	simm.s32 @p2 $0x1  }
0x17: {  	s4 =	simm.s32 $0x1BF5;
	[smem:$0x3FBB] =	sst s0  }
0x18: {  	s0 =	sld [smem:$0x3F9E];
	_ =	swait.ge [sflag:s4], $0x0  }
0x19: {  	s7 =	sld [smem:$0x3F9F]  }
0x1a: {  	s8 =	sadd.s32 $0xFFFFE003, lr  }
0x1b: {  	s9 =	sadd.s32 $0xFFFFFEF7, lr;
	s5 =	simm.s32 $0xFFFFFFFF;
	p2 =	slt.u32 s8, $0xFFFFF086  }
0x1c: {  	p1 =	slt.u32 s9, $0xF7A;
	s5 =	simm.s32 @!p2 $0x0  }
0x1d: {  	s5 =	simm.s32 @p1 $0x1;
	p0 =	seq.s32 s7, s2  }
0x1e: {  	s7 =	smul.u32 @!p0 $0xF7A, s2;
	p2 =	seq.s32 @!p0 s5, $0x0  }
0x1f: {  	s9 =	smul.u32 $0xF7A, s1;
	s8 =	simm.s32 @!p0 $0x1BF5;
	p2 =	por !p2, p0  }
0x20: {  	[sflag:s8] =	ssyncset.s32 @!p0 $0xFFFFF086;
	s6 =	sadd.s32 @!p0 s3, s7;
	s7 =	simm.s32 @!p0 $0x108  }
0x21: {  	s3 =	sadd.s32 s3, s9;
	s6 =	sadd.s32 @!p0 $0x88, s6;
	s7 =	simm.s32 @p2 $0x1082  }
0x22: {  	[simem:s7], [sflag:s8] =	dma.local @!p0 [hbm:s6], $0xF7A  }
0x23: {  	s9 =	sor.u32 $0xD0000000, s2;
	s6 =	simm.s32 $0x108;
	_ =	swait.ge @!p0 [sflag:s8], $0x0  }
0x24: {  	s3 =	sadd.s32 $0x88, s3;
	s6 =	simm.s32 @!p1 $0x1082;
	[sflag:s4] =	ssyncset.s32 $0xFFFFF086  }
0x25: {  	[simem:s6], [sflag:s4] =	dma.local [hbm:s3], $0xF7A  }
0x26: {  	[smem:$0x3F9F] =	sst s1;
	(tag) =	ssettag s2;
	_ =	strace s9  }
0x27: {  	s1 =	sld [smem:$0x3FAF]  }
0x28: {  	s2 =	sld [smem:$0x3FB0]  }
0x29: {  	s4 =	sld [smem:$0x3FB2]  }
0x2a: {  	p0 =	seq.s32 s5, $0x0;
	s5 =	sld [smem:$0x3FB3]  }
0x2b: {  	s6 =	sld [smem:$0x3FB4]  }
0x2c: {  	s7 =	sld [smem:$0x3FB5]  }
0x2d: {  	s3 =	simm.s32 $0x108;
	s8 =	sld [smem:$0x3FB6]  }
0x2e: {  	s3 =	simm.s32 @!p0 $0x1082;
	s9 =	sld [smem:$0x3FB7]  }
0x2f: {  	lr =	sadd.s32 s0, s3;
	s0 =	sld [smem:$0x3FAE]  }
0x30: {  	s3 =	sld [smem:$0x3FB1]  }
0x31: {  	[smem:$0x3FBA] =	sst s10  }
0x32: {  	s10 =	sld [smem:$0x3FB8];
	_ =	sdelay $0x3  }
0x33: {  	p0 =	seq.s32 s10, $0x1;
	s10 =	sld [smem:$0x3FBA];
	_ =	sdelay $0x3  }
0x34: {  	[smem:$0x3FBA] =	sst s10  }
0x35: {  	s10 =	sld [smem:$0x3FB9];
	_ =	sdelay $0x3  }
0x36: {  	p1 =	seq.s32 s10, $0x1;
	s10 =	sld [smem:$0x3FBA];
	_ =	sdelay $0x3  }
0x37: {  	[smem:$0x3FBA] =	sst s10  }
0x38: {  	s10 =	sld [smem:$0x3FBB]  }
0x39: {  	_ = 	snop;
	(pc) =	sbr.ind lr, $3  }
0x3a: {  	_ = 	snop  }
0x3b: {  	_ = 	snop  }
0x3c: {  	p2 =	seq.s32 s10, $0x1;
	s10 =	sld [smem:$0x3FBA]  }
0x3d: {  	_ =	shalt  }
0x3e: {  	_ =	shalt  }
0x3f: {  	_ =	shalt  }
0x40: {  	_ =	shalt  }
0x41: {  	_ =	shalt  }
0x42: {  	_ =	shalt  }
0x43: {  	_ =	shalt  }
0x44: {  	_ =	shalt  }
0x45: {  	_ =	shalt  }
0x46: {  	_ =	shalt  }
0x47: {  	_ =	shalt  }
0x48: {  	_ =	shalt  }
0x49: {  	_ =	shalt  }
0x4a: {  	_ =	shalt  }
0x4b: {  	_ =	shalt  }
0x4c: {  	_ =	shalt  }
0x4d: {  	_ =	shalt  }
0x4e: {  	_ =	shalt  }
0x4f: {  	_ =	shalt  }
0x50: {  	_ =	shalt  }
0x51: {  	_ =	shalt  }
0x52: {  	_ =	shalt  }
0x53: {  	_ =	shalt  }
0x54: {  	_ =	shalt  }
0x55: {  	_ =	shalt  }
0x56: {  	_ =	shalt  }
0x57: {  	_ =	shalt  }
0x58: {  	_ =	shalt  }
0x59: {  	_ =	shalt  }
0x5a: {  	_ =	shalt  }
0x5b: {  	_ =	shalt  }
0x5c: {  	_ =	shalt  }
0x5d: {  	_ =	shalt  }
0x5e: {  	_ =	shalt  }
0x5f: {  	_ =	shalt  }
0x60: {  	_ =	shalt  }
0x61: {  	_ =	shalt  }
0x62: {  	_ =	shalt  }
0x63: {  	_ =	shalt  }
0x64: {  	_ =	shalt  }
0x65: {  	_ =	shalt  }
0x66: {  	_ =	shalt  }
0x67: {  	_ =	shalt  }
0x68: {  	_ =	shalt  }
0x69: {  	_ =	shalt  }
0x6a: {  	_ =	shalt  }
0x6b: {  	_ =	shalt  }
0x6c: {  	_ =	shalt  }
0x6d: {  	_ =	shalt  }
0x6e: {  	_ =	shalt  }
0x6f: {  	_ =	shalt  }
0x70: {  	_ =	shalt  }
0x71: {  	_ =	shalt  }
0x72: {  	_ =	shalt  }
0x73: {  	_ =	shalt  }
0x74: {  	_ =	shalt  }
0x75: {  	_ =	shalt  }
0x76: {  	_ =	shalt  }
0x77: {  	_ =	shalt  }
0x78: {  	_ =	shalt  }
0x79: {  	_ =	shalt  }
0x7a: {  	_ =	shalt  }
0x7b: {  	_ =	shalt  }
0x7c: {  	_ =	shalt  }
0x7d: {  	_ =	shalt  }
0x7e: {  	_ =	shalt  }
0x7f: {  	_ =	shalt  }
0x80: {  	_ =	shalt  }
0x81: {  	_ =	shalt  }
0x82: {  	_ =	shalt  }
0x83: {  	_ =	shalt  }
0x84: {  	_ =	shalt  }
0x85: {  	_ =	shalt  }
0x86: {  	_ =	shalt  }
0x87: {  	_ =	shalt  }
.Lfunc_end0:
.L_simem_size_0:
called_computation_lowered:
.L_overlay_start_0:
0x88: {  	s2 =	sld [smem:$0x3FD9]  }
0x89: {  	s3 =	sld [smem:$0x3FFE];
	_ =	sdelay $0x1  }
0x8a: {  	s1 =	srdreg.scid  }
0x8b: {  	s0 =	sand.u32 $0x1, s1  }
0x8c: {  	s17 =	sshll.u32 s0, $0xA;
	s2 =	sadd.s32 s3, s2  }
0x8d: {  	s2 =	sadd.s32 s2, s17  }
0x8e: {  	[smem:$0x3FC6] =	sst s2  }
0x8f: {  	_ = 	snop  }
0x90: {  	s2 =	sld [smem:$0x3FC9]  }
0x91: {  	s18 =	sld [smem:$0x3FD0];
	(tm) =	ssettm $0x1  }
0x92: {  	s4 =	sld [smem:$0x3FFB];
	_ =	sdelay $0x3  }
0x93: {  	_ =	strace s4  }
0x94: {  	s4 =	sld [smem:$0x3FFC];
	_ =	sdelay $0x3  }
0x95: {  	_ =	strace s4  }
0x96: {  	s4 =	sld [smem:$0x3FFD];
	_ =	sdelay $0x3  }
0x97: {  	_ =	strace s4  }
0x98: {  	_ =	strace $0x8FFFFFFF  }
0x99: {  	s19 =	sld [smem:$0x3FDB];
	_ =	sdelay $0x1  }
0x9a: {  	s5 =	simm.s32 $_scs_section_size  }
0x9b: {  	s6 =	simm.s32 $_size__tile_overlayer_lowered;
	s7 =	simm.s32 $_tile_overlayer_lowered  }
0x9c: {  	s22 =	simm.s32 $0x1BFF;
	s21 =	sshll.u32 s7, $0x1;
	s4 =	sadd.s32 s5, s19  }
0x9d: {  	s8 =	simm.s32 $0x0;
	s20 =	sshll.u32 s6, $0x1;
	s6 =	sadd.s32 s21, s4  }
0x9e: {  	[timem:s8], [sflag:s22] =	dma.local [hbm:s6], s20  }
0x9f: {  	_ =	swait.ge [sflag:s22], s20  }
0xa0: {  	s5 =	ssub.s32 $0x0, s20;
	[sflag:s22] =	ssyncset.done $0x0  }
0xa1: {  	[sflag:s22] =	ssyncadd.s32 s5;
	_ =	sdelay $0x1  }
0xa2: {  	s23 =	simm.s32 $0x1B8B  }
0xa3: {  	_ =	swait.ge [sflag:s23], $0x1  }
0xa4: {  	[sflag:s23] =	ssyncset.done $0x0  }
0xa5: {  	s25 =	simm.s32 $0x1B8E;
	s24 =	sld [smem:$0x3FFE];
	[sflag:s23] =	ssyncadd.s32 $0xFFFFFFFF  }
0xa6: {  	s26 =	simm.s32 $execute0_lowered;
	[smem:$0x3FD2] =	sst s25  }
0xa7: {  	s6 =	sshll.u32 s26, $0x1;
	_ =	strace $0x80000046;
	[dreg:$0x1] =	wrdreg $0xFFFFFFFF  }
0xa8: {  	s28 =	simm.s32 $_size_execute0_lowered;
	s4 =	sadd.s32 s4, s6;
	[dreg:$0x0] =	wrdreg $0x0  }
0xa9: {  	s6 =	sshll.u32 s28, $0x1;
	[dreg:$0x2] =	wrdreg s4  }
0xaa: {  	[dreg:$0x3] =	wrdreg s6  }
0xab: {  	[dreg:$0x4] =	wrdreg $0xC0  }
0xac: {  	_ =	task [dreg:s8], $0x5FFFF  }
0xad: {  	[dreg:$0x1] =	wrdreg $0xFFFFFFFF  }
0xae: {  	[dreg:$0x0] =	wrdreg $0x60  }
0xaf: {  	[dreg:$0x2] =	wrdreg s2  }
0xb0: {  	[dreg:$0x3] =	wrdreg s24  }
0xb1: {  	[dreg:$0x4] =	wrdreg s18  }
0xb2: {  	[dreg:$0x5] =	wrdreg $0x9  }
0xb3: {  	_ =	task.clear_ibuf [dreg:s8], $0x6FFFF;
	_ =	strace $0x90000046  }
0xb4: {  	s29 =	simm.s32 $0x9;
	_ =	strace $0x80000048  }
0xb5: {  	_ =	swait.ge [sflag:s29], $0x1  }
0xb6: {  	[sflag:s29] =	ssyncadd.s32 $0xFFFFFFFF  }
0xb7: {  	_ =	strace $0x90000048  }
0xb8: {  	_ =	sfence  }
0xb9: {  	s30 =	sld [smem:$0x0];
	_ =	sdelay $0x2  }
0xba: {  	s31 =	sshll.u32 s1, $0xD;
	s1 =	sshrl.u32 s1, $0x2  }
0xbb: {  	s3 =	sand.u32 $0x4000, s31;
	s1 =	sadd.s32 s1, s30  }
0xbc: {  	s0 =	sor.u32 s3, s0;
	s1 =	sshll.u32 s1, $0x11  }
0xbd: {  	s0 =	sor.u32 s1, s0  }
0xbe: {  	s0 =	sadd.s32 $0x8F2B, s0  }
0xbf: {  	[sflag:s0] =	ssyncadd.remote.s32 $0x1  }
0xc0: {  	_ =	sfence.sel $0xFFFF  }
0xc1: {  	[dreg:$0x0] =	wrdreg $0xFFFFFFFF;
	(pc) =	sbr.abs _section_cstart, $3  }
0xc2: {  	[dreg:$0x1] =	wrdreg $0xFFFFFFFF  }
0xc3: {  	_ =	task.clear_ibuf [dreg:s8], $0x2FFFF;
	_ =	strace $0x9FFFFFFF  }
0xc4: {  	(tm) =	ssettm $0x7FFFFFFF  }
0xc5: {  	_ =	shalt  }
tec
execute0_lowered:
.L_overlay_start_1:
0x0: {  	(tag) =	ssettag $0x1  }
0x1: {  	s2 =	rddreg [dreg:$0x0]  }
0x2: {  	s0 =	rddreg [dreg:$0x1]  }
0x3: {  	s1 =	rddreg [dreg:$0x2];
	s3 =	srdreg.scid  }
0x4: {  	s10 =	stileid.u32;
	s31 =	simm.s32 $0x4800;
	s12 =	simm.s32 $0x5000  }
0x5: {  	s15 =	simm.s32 $0x5800;
	s16 =	simm.s32 $0x6800;
	s14 =	simm.s32 $0x9000  }
0x6: {  	s11 =	simm.s32 $0xA000;
	s13 =	simm.s32 $0xE000;
	s28 =	simm.s32 $0x4  }
0x7: {  	s29 =	simm.s32 $0x7;
	s30 =	simm.s32 $0x8;
	s4 =	sand.u32 $0x1, s3  }
0x8: {  	s5 =	sshll.u32 s10, $0x1;
	s3 =	simm.s32 $0x0;
	s19 =	sshll.u32 s10, $0x12  }
0x9: {  	s10 =	simm.s32 $0x4000;
	s8 =	sor.u32 s4, s5;
	s17 =	ssub.s32 $0x2, s4  }
0xa: {  	[smem:$0x7FF] =	sst s3;
	s5 =	sadd.s32 $0x100, s2;
	s21 =	sadd.s32 s19, s1  }
0xb: {  	s22 =	sshll.u32 s4, $0x11;
	s4 =	simm.s32 $0x2800;
	s19 =	simm.s32 $0x8000  }
0xc: {  	s6 =	sshll.u32 s8, $0xA;
	s7 =	sshrl.u32 s17, $0x1;
	_ =	strace $0x80000047  }
0xd: {  	s18 =	sshll.u32 s8, $0x11;
	s8 =	simm.s32 $0x1;
	s0 =	sadd.s32 s6, s0  }
0xe: {  	s9 =	ssub.s32 s17, s7;
	s6 =	sadd.s32 $0x200, s2;
	s20 =	sadd.s32 s1, s18  }
0xf: {  	s7 =	sadd.s32 $0x300, s2;
	s0 =	sadd.s32 $0x400, s0;
	[dreg:$0x6] =	wrdreg s20  }
0x10: {  	s1 =	simm.s32 $0x3800;
	s23 =	sadd.s32 $0x800, s20;
	[dreg:$0x5] =	wrdreg s0  }
0x11: {  	s17 =	simm.s32 $0x7000;
	s24 =	sadd.s32 $0x1F000, s20;
	[dreg:$0x7] =	wrdreg s23  }
0x12: {  	s18 =	simm.s32 $0x7800;
	s25 =	sadd.s32 $0x1F800, s20;
	[dreg:$0x8] =	wrdreg s24  }
0x13: {  	s26 =	smax.u32 s9, $0x1;
	s9 =	simm.s32 $0x3000;
	[dreg:$0x9] =	wrdreg s25  }
0x14: {  	s20 =	simm.s32 $0x8800;
	s0 =	sadd.s32 s22, s21;
	[dreg:$0xa] =	wrdreg s26  }
0x15: {  	v2 =	vlaneseq.u32;
	s21 =	simm.s32 $0x2000;
	s22 =	simm.s32 $0x6000;
	s23 =	simm.s32 $0x2  }
0x16: {  	vm0 =	vmmov $0xffff;
	v1 =	vshrl.u32 v2, $0x3;
	s24 =	simm.s32 $0x5;
	[dreg:$0x4] =	wrdreg s0;
	s0 =	simm.s32 $0x0  }
0x17: {  	v0 =	vand.u32 $0x7, v2;
	v2 =	vor.u32 $0x8, v2;
	v1 =	vmul.u32 $0x8, v1;
	s25 =	simm.s32 $0x3;
	s26 =	simm.s32 $0x6;
	[dreg:$0xb] =	wrdreg s0  }
.LBB2_1:
0x18: {  	s0 =	rddreg [dreg:$0x5]  }
0x19: {  	[tilespmem:s3], [sflag:$0x9] =	stream.linear.gather [hbm4b:s0+s3], $0x2000, $0x38;
	[tilespmem:$0x12000] =	vst v63  }
0x1a: {  	s0 =	simm.s32 $0x9  }
0x1b: {  	_ =	swait.ge [sflag:s0], $0x2000  }
0x1c: {  	[sflag:s0] =	ssyncset.done $0x0  }
0x1d: {  	[sflag:s0] =	ssyncadd.s32 $0xFFFFE000  }
0x1e: {  	v3 =	vld [tilespmem:$0x0];
	_ =	sdelay $0x4  }
0x1f: {  	v4 =	vshll.u32 v3, $0x3  }
0x20: {  	v3 =	vand.u32 $0x7, v3;
	v4 =	vand.u32 $0xFFFFFFC0, v4  }
0x21: {  	v3 =	vor.u32 v3, v4  }
0x22: {  	v4 =	vperm.xlane v3, v0;
	_ =	sdelay $0x1  }
0x23: {  	v4 =	vadd.s32 v1, v4;
	_ =	sdelay $0x4  }
0x24: {  	[tilespmem:s21], [sflag:$0x1] =	stream.indirect_vreg.gather [hbm4b:s2+s3], $0x80, v4, vm0, $0xb8;
	[tilespmem:$0x12000] =	vst v63  }
0x25: {  	v3 =	vperm.xlane v3, v2  }
0x26: {  	[tilespmem:s4], [sflag:$0x1] =	stream.indirect_vreg.gather [hbm4b:s5+s3], $0x80, v4, vm0, $0xb8;
	[tilespmem:$0x12000] =	vst v63  }
0x27: {  	v3 =	vadd.s32 v1, v3  }
0x28: {  	[tilespmem:s9], [sflag:$0x1] =	stream.indirect_vreg.gather [hbm4b:s6+s3], $0x80, v4, vm0, $0xb8;
	[tilespmem:$0x12000] =	vst v63  }
0x29: {  	_ = 	snop  }
0x2a: {  	[tilespmem:s1], [sflag:$0x1] =	stream.indirect_vreg.gather [hbm4b:s7+s3], $0x80, v4, vm0, $0xb8;
	[tilespmem:$0x12000] =	vst v63  }
0x2b: {  	_ = 	snop  }
0x2c: {  	[tilespmem:s10], [sflag:$0x1] =	stream.indirect_vreg.gather [hbm4b:s2+s3], $0x80, v3, vm0, $0xb8;
	[tilespmem:$0x12000] =	vst v63  }
0x2d: {  	_ = 	snop  }
0x2e: {  	[tilespmem:s31], [sflag:$0x1] =	stream.indirect_vreg.gather [hbm4b:s5+s3], $0x80, v3, vm0, $0xb8;
	[tilespmem:$0x12000] =	vst v63  }
0x2f: {  	_ = 	snop  }
0x30: {  	[tilespmem:s12], [sflag:$0x1] =	stream.indirect_vreg.gather [hbm4b:s6+s3], $0x80, v3, vm0, $0xb8;
	[tilespmem:$0x12000] =	vst v63  }
0x31: {  	_ = 	snop  }
0x32: {  	[tilespmem:s15], [sflag:$0x1] =	stream.indirect_vreg.gather [hbm4b:s7+s3], $0x80, v3, vm0, $0xb8;
	[tilespmem:$0x12000] =	vst v63  }
0x33: {  	v3 =	vld [tilespmem:$0x80];
	_ =	sdelay $0x4  }
0x34: {  	v61 =	vshll.u32 v3, $0x3  }
0x35: {  	v3 =	vand.u32 $0x7, v3;
	v4 =	vand.u32 $0xFFFFFFC0, v61  }
0x36: {  	v3 =	vor.u32 v3, v4  }
0x37: {  	v4 =	vperm.xlane v3, v0;
	_ =	sdelay $0x1  }
0x38: {  	v4 =	vadd.s32 v1, v4;
	_ =	sdelay $0x4  }
0x39: {  	[tilespmem:s22], [sflag:$0x2] =	stream.indirect_vreg.gather [hbm4b:s2+s3], $0x80, v4, vm0, $0xb8;
	[tilespmem:$0x12000] =	vst v63  }
0x3a: {  	v3 =	vperm.xlane v3, v2  }
0x3b: {  	[tilespmem:s16], [sflag:$0x2] =	stream.indirect_vreg.gather [hbm4b:s5+s3], $0x80, v4, vm0, $0xb8;
	[tilespmem:$0x12000] =	vst v63  }
0x3c: {  	v3 =	vadd.s32 v1, v3  }
0x3d: {  	[tilespmem:s17], [sflag:$0x2] =	stream.indirect_vreg.gather [hbm4b:s6+s3], $0x80, v4, vm0, $0xb8;
	[tilespmem:$0x12000] =	vst v63  }
0x3e: {  	_ = 	snop  }
0x3f: {  	[tilespmem:s18], [sflag:$0x2] =	stream.indirect_vreg.gather [hbm4b:s7+s3], $0x80, v4, vm0, $0xb8;
	[tilespmem:$0x12000] =	vst v63  }
0x40: {  	_ = 	snop  }
0x41: {  	[tilespmem:s19], [sflag:$0x2] =	stream.indirect_vreg.gather [hbm4b:s2+s3], $0x80, v3, vm0, $0xb8;
	[tilespmem:$0x12000] =	vst v63  }
0x42: {  	_ = 	snop  }
0x43: {  	[tilespmem:s20], [sflag:$0x2] =	stream.indirect_vreg.gather [hbm4b:s5+s3], $0x80, v3, vm0, $0xb8;
	[tilespmem:$0x12000] =	vst v63  }
0x44: {  	_ = 	snop  }
0x45: {  	[tilespmem:s14], [sflag:$0x2] =	stream.indirect_vreg.gather [hbm4b:s6+s3], $0x80, v3, vm0, $0xb8;
	[tilespmem:$0x12000] =	vst v63  }
0x46: {  	s16 =	simm.s32 $0x9800  }
0x47: {  	[tilespmem:s16], [sflag:$0x2] =	stream.indirect_vreg.gather [hbm4b:s7+s3], $0x80, v3, vm0, $0xb8;
	[tilespmem:$0x12000] =	vst v63  }
0x48: {  	v3 =	vld [tilespmem:$0x100];
	_ =	sdelay $0x4  }
0x49: {  	v62 =	vshll.u32 v3, $0x3  }
0x4a: {  	v3 =	vand.u32 $0x7, v3;
	v4 =	vand.u32 $0xFFFFFFC0, v62  }
0x4b: {  	v3 =	vor.u32 v3, v4  }
0x4c: {  	v4 =	vperm.xlane v3, v0;
	_ =	sdelay $0x1  }
0x4d: {  	v4 =	vadd.s32 v1, v4;
	_ =	sdelay $0x4  }
0x4e: {  	[tilespmem:s11], [sflag:$0x3] =	stream.indirect_vreg.gather [hbm4b:s2+s3], $0x80, v4, vm0, $0xb8;
	[tilespmem:$0x12000] =	vst v63  }
0x4f: {  	s17 =	simm.s32 $0xA800;
	v3 =	vperm.xlane v3, v2  }
0x50: {  	[tilespmem:s17], [sflag:$0x3] =	stream.indirect_vreg.gather [hbm4b:s5+s3], $0x80, v4, vm0, $0xb8;
	[tilespmem:$0x12000] =	vst v63  }
0x51: {  	s18 =	simm.s32 $0xB000;
	v3 =	vadd.s32 v1, v3  }
0x52: {  	[tilespmem:s18], [sflag:$0x3] =	stream.indirect_vreg.gather [hbm4b:s6+s3], $0x80, v4, vm0, $0xb8;
	[tilespmem:$0x12000] =	vst v63  }
0x53: {  	s19 =	simm.s32 $0xB800  }
0x54: {  	[tilespmem:s19], [sflag:$0x3] =	stream.indirect_vreg.gather [hbm4b:s7+s3], $0x80, v4, vm0, $0xb8;
	[tilespmem:$0x12000] =	vst v63  }
0x55: {  	s20 =	simm.s32 $0xC000  }
0x56: {  	[tilespmem:s20], [sflag:$0x3] =	stream.indirect_vreg.gather [hbm4b:s2+s3], $0x80, v3, vm0, $0xb8;
	[tilespmem:$0x12000] =	vst v63  }
0x57: {  	s1 =	simm.s32 $0xC800  }
0x58: {  	[tilespmem:s1], [sflag:$0x3] =	stream.indirect_vreg.gather [hbm4b:s5+s3], $0x80, v3, vm0, $0xb8;
	[tilespmem:$0x12000] =	vst v63  }
0x59: {  	s10 =	simm.s32 $0xD000  }
0x5a: {  	[tilespmem:s10], [sflag:$0x3] =	stream.indirect_vreg.gather [hbm4b:s6+s3], $0x80, v3, vm0, $0xb8;
	[tilespmem:$0x12000] =	vst v63  }
0x5b: {  	s11 =	simm.s32 $0xD800  }
0x5c: {  	[tilespmem:s11], [sflag:$0x3] =	stream.indirect_vreg.gather [hbm4b:s7+s3], $0x80, v3, vm0, $0xb8;
	[tilespmem:$0x12000] =	vst v63  }
0x5d: {  	_ =	swait.ge [sflag:s8], $0x4000  }
0x5e: {  	[sflag:s8] =	ssyncset.done $0x0  }
0x5f: {  	s12 =	rddreg [dreg:$0x6];
	[sflag:s8] =	ssyncadd.s32 $0xFFFFC000  }
0x60: {  	[hbm4b:s12+s3] =	stream.linear.scatter [tilespmem:s21], [sflag:$0x5], $0x4000, $0x38;
	[tilespmem:$0x12000] =	vst v63  }
0x61: {  	v3 =	vld [tilespmem:$0x180];
	_ =	sdelay $0x4  }
0x62: {  	v63 =	vshll.u32 v3, $0x3  }
0x63: {  	v3 =	vand.u32 $0x7, v3;
	v4 =	vand.u32 $0xFFFFFFC0, v63  }
0x64: {  	v3 =	vor.u32 v3, v4  }
0x65: {  	v4 =	vperm.xlane v3, v0;
	_ =	sdelay $0x1  }
0x66: {  	v4 =	vadd.s32 v1, v4;
	_ =	sdelay $0x4  }
0x67: {  	[tilespmem:s13], [sflag:$0x4] =	stream.indirect_vreg.gather [hbm4b:s2+s3], $0x80, v4, vm0, $0xb8;
	[tilespmem:$0x12000] =	vst v63  }
0x68: {  	s14 =	simm.s32 $0xE800;
	v3 =	vperm.xlane v3, v2  }
0x69: {  	[tilespmem:s14], [sflag:$0x4] =	stream.indirect_vreg.gather [hbm4b:s5+s3], $0x80, v4, vm0, $0xb8;
	[tilespmem:$0x12000] =	vst v63  }
0x6a: {  	s15 =	simm.s32 $0xF000;
	v3 =	vadd.s32 v1, v3  }
0x6b: {  	[tilespmem:s15], [sflag:$0x4] =	stream.indirect_vreg.gather [hbm4b:s6+s3], $0x80, v4, vm0, $0xb8;
	[tilespmem:$0x12000] =	vst v63  }
0x6c: {  	s16 =	simm.s32 $0xF800  }
0x6d: {  	[tilespmem:s16], [sflag:$0x4] =	stream.indirect_vreg.gather [hbm4b:s7+s3], $0x80, v4, vm0, $0xb8;
	[tilespmem:$0x12000] =	vst v63  }
0x6e: {  	s17 =	simm.s32 $0x10000  }
0x6f: {  	[tilespmem:s17], [sflag:$0x4] =	stream.indirect_vreg.gather [hbm4b:s2+s3], $0x80, v3, vm0, $0xb8;
	[tilespmem:$0x12000] =	vst v63  }
0x70: {  	s0 =	simm.s32 $0x380;
	s18 =	simm.s32 $0x10800  }
0x71: {  	[tilespmem:s18], [sflag:$0x4] =	stream.indirect_vreg.gather [hbm4b:s5+s3], $0x80, v3, vm0, $0xb8;
	[tilespmem:$0x12000] =	vst v63  }
0x72: {  	s31 =	simm.s32 $0x6000;
	s19 =	simm.s32 $0x11000;
	s20 =	simm.s32 $0x11800  }
0x73: {  	[tilespmem:s19], [sflag:$0x4] =	stream.indirect_vreg.gather [hbm4b:s6+s3], $0x80, v3, vm0, $0xb8;
	[tilespmem:$0x12000] =	vst v63  }
0x74: {  	s1 =	simm.s32 $0x0;
	s10 =	simm.s32 $0x3800;
	s12 =	simm.s32 $0x4800  }
0x75: {  	[tilespmem:s20], [sflag:$0x4] =	stream.indirect_vreg.gather [hbm4b:s7+s3], $0x80, v3, vm0, $0xb8;
	[tilespmem:$0x12000] =	vst v63  }
0x76: {  	s14 =	simm.s32 $0x9000;
	s16 =	simm.s32 $0x5800;
	_ =	swait.ge [sflag:s23], $0x4000  }
0x77: {  	s17 =	simm.s32 $0x6800;
	s18 =	simm.s32 $0x7000;
	[sflag:s23] =	ssyncset.done $0x0  }
0x78: {  	s19 =	simm.s32 $0x7800;
	s21 =	rddreg [dreg:$0x7];
	[sflag:s23] =	ssyncadd.s32 $0xFFFFC000  }
0x79: {  	[hbm4b:s21+s3] =	stream.linear.scatter [tilespmem:s22], [sflag:$0x6], $0x4000, $0x38;
	[tilespmem:$0x12000] =	vst v63  }
0x7a: {  	s20 =	simm.s32 $0x8000;
	s22 =	simm.s32 $0x2000;
	s21 =	simm.s32 $0x8800  }
.LBB2_2:
0x7b: {  	_ =	swait.ge [sflag:s24], $0x4000  }
0x7c: {  	[sflag:s24] =	ssyncset.done $0x0  }
0x7d: {  	[sflag:s24] =	ssyncadd.s32 $0xFFFFC000  }
0x7e: {  	v3 =	vld [tilespmem:s0+$0xFFFFFE80];
	_ =	sdelay $0x4  }
0x7f: {  	v4 =	vshll.u32 v3, $0x3  }
0x80: {  	v3 =	vand.u32 $0x7, v3;
	v4 =	vand.u32 $0xFFFFFFC0, v4  }
0x81: {  	v3 =	vor.u32 v3, v4  }
0x82: {  	v4 =	vperm.xlane v3, v0;
	_ =	sdelay $0x1  }
0x83: {  	v4 =	vadd.s32 v1, v4;
	_ =	sdelay $0x4  }
0x84: {  	[tilespmem:s22], [sflag:$0x1] =	stream.indirect_vreg.gather [hbm4b:s2+s3], $0x80, v4, vm0, $0xb8;
	[tilespmem:$0x12000] =	vst v63  }
0x85: {  	v3 =	vperm.xlane v3, v2  }
0x86: {  	[tilespmem:s4], [sflag:$0x1] =	stream.indirect_vreg.gather [hbm4b:s5+s3], $0x80, v4, vm0, $0xb8;
	[tilespmem:$0x12000] =	vst v63  }
0x87: {  	v3 =	vadd.s32 v1, v3  }
0x88: {  	[tilespmem:s9], [sflag:$0x1] =	stream.indirect_vreg.gather [hbm4b:s6+s3], $0x80, v4, vm0, $0xb8;
	[tilespmem:$0x12000] =	vst v63  }
0x89: {  	_ = 	snop  }
0x8a: {  	[tilespmem:s10], [sflag:$0x1] =	stream.indirect_vreg.gather [hbm4b:s7+s3], $0x80, v4, vm0, $0xb8;
	[tilespmem:$0x12000] =	vst v63  }
0x8b: {  	s11 =	simm.s32 $0x4000  }
0x8c: {  	[tilespmem:s11], [sflag:$0x1] =	stream.indirect_vreg.gather [hbm4b:s2+s3], $0x80, v3, vm0, $0xb8;
	[tilespmem:$0x12000] =	vst v63  }
0x8d: {  	_ = 	snop  }
0x8e: {  	[tilespmem:s12], [sflag:$0x1] =	stream.indirect_vreg.gather [hbm4b:s5+s3], $0x80, v3, vm0, $0xb8;
	[tilespmem:$0x12000] =	vst v63  }
0x8f: {  	s15 =	simm.s32 $0x5000  }
0x90: {  	[tilespmem:s15], [sflag:$0x1] =	stream.indirect_vreg.gather [hbm4b:s6+s3], $0x80, v3, vm0, $0xb8;
	[tilespmem:$0x12000] =	vst v63  }
0x91: {  	_ = 	snop  }
0x92: {  	[tilespmem:s16], [sflag:$0x1] =	stream.indirect_vreg.gather [hbm4b:s7+s3], $0x80, v3, vm0, $0xb8;
	[tilespmem:$0x12000] =	vst v63  }
0x93: {  	_ =	swait.ge [sflag:s25], $0x4000  }
0x94: {  	s9 =	rddreg [dreg:$0x4]  }
0x95: {  	[sflag:s25] =	ssyncset.done $0x0;
	s4 =	sadd.s32 s1, s9  }
0x96: {  	s15 =	simm.s32 $0xA000;
	[sflag:s25] =	ssyncadd.s32 $0xFFFFC000;
	s11 =	sadd.s32 $0x1000, s4  }
0x97: {  	[hbm4b:s11+s3] =	stream.linear.scatter [tilespmem:s15], [sflag:$0x7], $0x4000, $0x38;
	[tilespmem:$0x12000] =	vst v63  }
0x98: {  	_ =	swait.ge [sflag:s26], $0x4000  }
0x99: {  	[sflag:s26] =	ssyncset.done $0x0  }
0x9a: {  	[sflag:s26] =	ssyncadd.s32 $0xFFFFC000  }
0x9b: {  	v3 =	vld [tilespmem:s0+$0xFFFFFF00];
	_ =	sdelay $0x4  }
0x9c: {  	v61 =	vshll.u32 v3, $0x3  }
0x9d: {  	v3 =	vand.u32 $0x7, v3;
	v4 =	vand.u32 $0xFFFFFFC0, v61  }
0x9e: {  	v3 =	vor.u32 v3, v4  }
0x9f: {  	v4 =	vperm.xlane v3, v0;
	_ =	sdelay $0x1  }
0xa0: {  	v4 =	vadd.s32 v1, v4;
	_ =	sdelay $0x4  }
0xa1: {  	[tilespmem:s31], [sflag:$0x2] =	stream.indirect_vreg.gather [hbm4b:s2+s3], $0x80, v4, vm0, $0xb8;
	[tilespmem:$0x12000] =	vst v63  }
0xa2: {  	v3 =	vperm.xlane v3, v2  }
0xa3: {  	[tilespmem:s17], [sflag:$0x2] =	stream.indirect_vreg.gather [hbm4b:s5+s3], $0x80, v4, vm0, $0xb8;
	[tilespmem:$0x12000] =	vst v63  }
0xa4: {  	v3 =	vadd.s32 v1, v3  }
0xa5: {  	[tilespmem:s18], [sflag:$0x2] =	stream.indirect_vreg.gather [hbm4b:s6+s3], $0x80, v4, vm0, $0xb8;
	[tilespmem:$0x12000] =	vst v63  }
0xa6: {  	_ = 	snop  }
0xa7: {  	[tilespmem:s19], [sflag:$0x2] =	stream.indirect_vreg.gather [hbm4b:s7+s3], $0x80, v4, vm0, $0xb8;
	[tilespmem:$0x12000] =	vst v63  }
0xa8: {  	_ = 	snop  }
0xa9: {  	[tilespmem:s20], [sflag:$0x2] =	stream.indirect_vreg.gather [hbm4b:s2+s3], $0x80, v3, vm0, $0xb8;
	[tilespmem:$0x12000] =	vst v63  }
0xaa: {  	_ = 	snop  }
0xab: {  	[tilespmem:s21], [sflag:$0x2] =	stream.indirect_vreg.gather [hbm4b:s5+s3], $0x80, v3, vm0, $0xb8;
	[tilespmem:$0x12000] =	vst v63  }
0xac: {  	_ = 	snop  }
0xad: {  	[tilespmem:s14], [sflag:$0x2] =	stream.indirect_vreg.gather [hbm4b:s6+s3], $0x80, v3, vm0, $0xb8;
	[tilespmem:$0x12000] =	vst v63  }
0xae: {  	s11 =	simm.s32 $0x9800  }
0xaf: {  	[tilespmem:s11], [sflag:$0x2] =	stream.indirect_vreg.gather [hbm4b:s7+s3], $0x80, v3, vm0, $0xb8;
	[tilespmem:$0x12000] =	vst v63  }
0xb0: {  	_ =	swait.ge [sflag:s28], $0x4000  }
0xb1: {  	[sflag:s28] =	ssyncset.done $0x0  }
0xb2: {  	s11 =	sadd.s32 $0x1800, s4;
	[sflag:s28] =	ssyncadd.s32 $0xFFFFC000  }
0xb3: {  	[hbm4b:s11+s3] =	stream.linear.scatter [tilespmem:s13], [sflag:$0x8], $0x4000, $0x38;
	[tilespmem:$0x12000] =	vst v63  }
0xb4: {  	_ =	swait.ge [sflag:s29], $0x4000  }
0xb5: {  	[sflag:s29] =	ssyncset.done $0x0  }
0xb6: {  	[sflag:s29] =	ssyncadd.s32 $0xFFFFC000  }
0xb7: {  	v3 =	vld [tilespmem:s0+$0xFFFFFF80];
	_ =	sdelay $0x4  }
0xb8: {  	v62 =	vshll.u32 v3, $0x3  }
0xb9: {  	v3 =	vand.u32 $0x7, v3;
	v4 =	vand.u32 $0xFFFFFFC0, v62  }
0xba: {  	v3 =	vor.u32 v3, v4  }
0xbb: {  	v4 =	vperm.xlane v3, v0;
	_ =	sdelay $0x1  }
0xbc: {  	v4 =	vadd.s32 v1, v4;
	_ =	sdelay $0x4  }
0xbd: {  	[tilespmem:s15], [sflag:$0x3] =	stream.indirect_vreg.gather [hbm4b:s2+s3], $0x80, v4, vm0, $0xb8;
	[tilespmem:$0x12000] =	vst v63  }
0xbe: {  	v3 =	vperm.xlane v3, v2;
	s15 =	simm.s32 $0xA800  }
0xbf: {  	[tilespmem:s15], [sflag:$0x3] =	stream.indirect_vreg.gather [hbm4b:s5+s3], $0x80, v4, vm0, $0xb8;
	[tilespmem:$0x12000] =	vst v63  }
0xc0: {  	v3 =	vadd.s32 v1, v3;
	s15 =	simm.s32 $0xB000  }
0xc1: {  	[tilespmem:s15], [sflag:$0x3] =	stream.indirect_vreg.gather [hbm4b:s6+s3], $0x80, v4, vm0, $0xb8;
	[tilespmem:$0x12000] =	vst v63  }
0xc2: {  	s15 =	simm.s32 $0xB800  }
0xc3: {  	[tilespmem:s15], [sflag:$0x3] =	stream.indirect_vreg.gather [hbm4b:s7+s3], $0x80, v4, vm0, $0xb8;
	[tilespmem:$0x12000] =	vst v63  }
0xc4: {  	s15 =	simm.s32 $0xC000  }
0xc5: {  	[tilespmem:s15], [sflag:$0x3] =	stream.indirect_vreg.gather [hbm4b:s2+s3], $0x80, v3, vm0, $0xb8;
	[tilespmem:$0x12000] =	vst v63  }
0xc6: {  	s15 =	simm.s32 $0xC800  }
0xc7: {  	[tilespmem:s15], [sflag:$0x3] =	stream.indirect_vreg.gather [hbm4b:s5+s3], $0x80, v3, vm0, $0xb8;
	[tilespmem:$0x12000] =	vst v63  }
0xc8: {  	s15 =	simm.s32 $0xD000  }
0xc9: {  	[tilespmem:s15], [sflag:$0x3] =	stream.indirect_vreg.gather [hbm4b:s6+s3], $0x80, v3, vm0, $0xb8;
	[tilespmem:$0x12000] =	vst v63  }
0xca: {  	s15 =	simm.s32 $0xD800  }
0xcb: {  	[tilespmem:s15], [sflag:$0x3] =	stream.indirect_vreg.gather [hbm4b:s7+s3], $0x80, v3, vm0, $0xb8;
	[tilespmem:$0x12000] =	vst v63  }
0xcc: {  	_ =	swait.ge [sflag:s8], $0x4000  }
0xcd: {  	[sflag:s8] =	ssyncset.done $0x0  }
0xce: {  	s15 =	sadd.s32 $0x2000, s4;
	[sflag:s8] =	ssyncadd.s32 $0xFFFFC000  }
0xcf: {  	[hbm4b:s15+s3] =	stream.linear.scatter [tilespmem:s22], [sflag:$0x5], $0x4000, $0x38;
	[tilespmem:$0x12000] =	vst v63  }
0xd0: {  	_ =	swait.ge [sflag:s30], $0x4000  }
0xd1: {  	[sflag:s30] =	ssyncset.done $0x0  }
0xd2: {  	[sflag:s30] =	ssyncadd.s32 $0xFFFFC000  }
0xd3: {  	v3 =	vld [tilespmem:s0+$0x0];
	_ =	sdelay $0x4  }
0xd4: {  	v63 =	vshll.u32 v3, $0x3  }
0xd5: {  	v3 =	vand.u32 $0x7, v3;
	v4 =	vand.u32 $0xFFFFFFC0, v63  }
0xd6: {  	v3 =	vor.u32 v3, v4  }
0xd7: {  	v4 =	vperm.xlane v3, v0;
	_ =	sdelay $0x1  }
0xd8: {  	v4 =	vadd.s32 v1, v4;
	_ =	sdelay $0x4  }
0xd9: {  	[tilespmem:s13], [sflag:$0x4] =	stream.indirect_vreg.gather [hbm4b:s2+s3], $0x80, v4, vm0, $0xb8;
	[tilespmem:$0x12000] =	vst v63  }
0xda: {  	s15 =	simm.s32 $0xE800;
	v3 =	vperm.xlane v3, v2  }
0xdb: {  	[tilespmem:s15], [sflag:$0x4] =	stream.indirect_vreg.gather [hbm4b:s5+s3], $0x80, v4, vm0, $0xb8;
	[tilespmem:$0x12000] =	vst v63  }
0xdc: {  	v3 =	vadd.s32 v1, v3;
	s15 =	simm.s32 $0xF000  }
0xdd: {  	[tilespmem:s15], [sflag:$0x4] =	stream.indirect_vreg.gather [hbm4b:s6+s3], $0x80, v4, vm0, $0xb8;
	[tilespmem:$0x12000] =	vst v63  }
0xde: {  	s15 =	simm.s32 $0xF800  }
0xdf: {  	[tilespmem:s15], [sflag:$0x4] =	stream.indirect_vreg.gather [hbm4b:s7+s3], $0x80, v4, vm0, $0xb8;
	[tilespmem:$0x12000] =	vst v63  }
0xe0: {  	s15 =	simm.s32 $0x10000  }
0xe1: {  	[tilespmem:s15], [sflag:$0x4] =	stream.indirect_vreg.gather [hbm4b:s2+s3], $0x80, v3, vm0, $0xb8;
	[tilespmem:$0x12000] =	vst v63  }
0xe2: {  	s15 =	simm.s32 $0x10800  }
0xe3: {  	[tilespmem:s15], [sflag:$0x4] =	stream.indirect_vreg.gather [hbm4b:s5+s3], $0x80, v3, vm0, $0xb8;
	[tilespmem:$0x12000] =	vst v63  }
0xe4: {  	s15 =	simm.s32 $0x11000  }
0xe5: {  	[tilespmem:s15], [sflag:$0x4] =	stream.indirect_vreg.gather [hbm4b:s6+s3], $0x80, v3, vm0, $0xb8;
	[tilespmem:$0x12000] =	vst v63  }
0xe6: {  	p0 =	sne.s32 s1, $0x1C000;
	s15 =	simm.s32 $0x11800  }
0xe7: {  	[tilespmem:s15], [sflag:$0x4] =	stream.indirect_vreg.gather [hbm4b:s7+s3], $0x80, v3, vm0, $0xb8;
	[tilespmem:$0x12000] =	vst v63  }
.Ltmp0:
0xe8: {  	_ =	swait.ge [sflag:s23], $0x4000;
	(pc) =	sbr.rel @p0 .LBB2_2-.Ltmp0, $4  }
0xe9: {  	s9 =	simm.s32 $0x3000;
	[sflag:s23] =	ssyncset.done $0x0  }
0xea: {  	s1 =	sadd.s32 $0x2000, s1;
	s4 =	sadd.s32 $0x2800, s4;
	[sflag:s23] =	ssyncadd.s32 $0xFFFFC000  }
0xeb: {  	[hbm4b:s4+s3] =	stream.linear.scatter [tilespmem:s31], [sflag:$0x6], $0x4000, $0x38;
	[tilespmem:$0x12000] =	vst v63  }
0xec: {  	s11 =	simm.s32 $0xA000;
	s0 =	sadd.s32 $0x200, s0;
	s4 =	simm.s32 $0x2800  }
0xed: {  	_ =	swait.ge [sflag:s25], $0x4000  }
0xee: {  	[sflag:s25] =	ssyncset.done $0x0  }
0xef: {  	s0 =	rddreg [dreg:$0x8];
	[sflag:s25] =	ssyncadd.s32 $0xFFFFC000  }
0xf0: {  	[hbm4b:s0+s3] =	stream.linear.scatter [tilespmem:s11], [sflag:$0x7], $0x4000, $0x38;
	[tilespmem:$0x12000] =	vst v63  }
0xf1: {  	_ =	swait.ge [sflag:s28], $0x4000  }
0xf2: {  	[sflag:s28] =	ssyncset.done $0x0  }
0xf3: {  	s21 =	rddreg [dreg:$0x9];
	[sflag:s28] =	ssyncadd.s32 $0xFFFFC000  }
0xf4: {  	[hbm4b:s21+s3] =	stream.linear.scatter [tilespmem:s13], [sflag:$0x8], $0x4000, $0x38;
	[tilespmem:$0x12000] =	vst v63  }
0xf5: {  	_ =	swait.ge [sflag:s24], $0x4000  }
0xf6: {  	[sflag:s24] =	ssyncset.done $0x0  }
0xf7: {  	[sflag:s24] =	ssyncadd.s32 $0xFFFFC000  }
0xf8: {  	_ =	swait.ge [sflag:s26], $0x4000  }
0xf9: {  	[sflag:s26] =	ssyncset.done $0x0  }
0xfa: {  	[sflag:s26] =	ssyncadd.s32 $0xFFFFC000  }
0xfb: {  	_ =	swait.ge [sflag:s29], $0x4000  }
0xfc: {  	[sflag:s29] =	ssyncset.done $0x0  }
0xfd: {  	[sflag:s29] =	ssyncadd.s32 $0xFFFFC000  }
0xfe: {  	_ =	swait.ge [sflag:s30], $0x4000  }
0xff: {  	s1 =	rddreg [dreg:$0xb]  }
0x100: {  	s22 =	rddreg [dreg:$0xa];
	s1 =	sadd.s32 $0x1, s1  }
0x101: {  	s10 =	simm.s32 $0x4000;
	s31 =	simm.s32 $0x4800;
	p0 =	sne.s32 s1, s22  }
.Ltmp1:
0x102: {  	s12 =	simm.s32 $0x5000;
	s15 =	simm.s32 $0x5800;
	(pc) =	sbr.rel @p0 .LBB2_1-.Ltmp1, $4  }
0x103: {  	s16 =	simm.s32 $0x6800;
	s17 =	simm.s32 $0x7000;
	s18 =	simm.s32 $0x7800  }
0x104: {  	s19 =	simm.s32 $0x8000;
	s20 =	simm.s32 $0x8800;
	[sflag:s30] =	ssyncset.done $0x0  }
0x105: {  	s14 =	simm.s32 $0x9000;
	s21 =	simm.s32 $0x2000;
	[sflag:s30] =	ssyncadd.s32 $0xFFFFC000  }
0x106: {  	[dreg:$0xb] =	wrdreg s1;
	s1 =	simm.s32 $0x3800;
	s22 =	simm.s32 $0x6000  }
0x107: {  	_ =	sfence.sel $0x180000  }
0x108: {  	[bflag:$0x0] =	sbarrier.arrive $0xFFFF  }
0x109: {  	_ =	strace $0x90000047  }
0x10a: {  	s0 =	stileid.u32;
	[bflag:$0x2] =	sbarrier.arrive $0xFFFF  }
0x10b: {  	p0 =	sne.s32 s0, $0x0;
	s0 =	rddreg [dreg:$0x3]  }
0x10c: {  	s0 =	sadd.s32 @!p0 $0x100000, s0  }
0x10d: {  	[sflag:s0] =	ssyncadd.tile.s32 @!p0 $0x1;
	_ =	shalt  }
.Lfunc_end2:
_tile_overlayer_lowered:
.L_overlay_start_2:
0x10e: {  	(tag) =	ssettag $0x2  }
0x10f: {  	s0 =	rddreg [dreg:$0x0];
	s2 =	stileid.u32  }
0x110: {  	s1 =	rddreg [dreg:$0x1];
	p0 =	sne.s32 s2, $0x0  }
0x111: {  	s3 =	rddreg [dreg:$0x2];
	[bflag:$0x3] =	sbarrier.arrive $0xFFFF;
	s2 =	simm.s32 @!p0 $0x1C09  }
0x112: {  	[timem:s3], [sflag:s2] =	dma.local @!p0 [hbm:s0], s1  }
0x113: {  	s0 =	simm.s32 @!p0 $0x9  }
0x114: {  	_ =	swait.ge @!p0 [sflag:s0], s1  }
0x115: {  	s1 =	ssub.s32 @!p0 $0x0, s1;
	[sflag:s0] =	ssyncset.done @!p0 $0x0  }
0x116: {  	[sflag:s0] =	ssyncadd.s32 @!p0 s1  }
0x117: {  	[bflag:$0x3] =	sbarrier.arrive $0xFFFF  }
0x118: {  	_ =	shalt  }

</sc_bundles>
